<compile_context>
chip_gen: v7x
topology: tpu7x:2x2x1
jax: 0.10.2.dev20260603
libtpu: 0.0.44.dev20260713+nightly
codegen_flags: <defaults>
</compile_context>

<pallas_src>
import functools

import jax
import jax.numpy as jnp
from jax import lax
from jax.experimental import pallas as pl
from jax.experimental.pallas import tpu as pltpu
from jax.experimental.pallas import tpu_sc as plsc

VOCAB = 100000
D = 2048
BATCH = 4
SEQ = 4096
B_TOT = BATCH * SEQ

NC = 2
NS = 16
NW = NC * NS
BPW = B_TOT // NW

C = 8
NCHUNK = BPW // C
R = 4
L = 2


def _emb_body(idx_hbm, table_hbm, out_hbm, idx_v, rows_v, gsem, ssem):
    wid = lax.axis_index("s") * NC + lax.axis_index("c")
    base = wid * BPW

    WPB = SEQ // BPW
    pltpu.sync_copy(idx_hbm.at[wid // WPB, pl.ds((wid % WPB) * BPW, BPW)], idx_v)

    def _gather_start(c, b):
        pltpu.async_copy(
            table_hbm.at[idx_v.at[pl.ds(c * C, C)]], rows_v.at[b], gsem.at[b]
        )

    def _gather_wait(c, b):
        pltpu.make_async_copy(
            table_hbm.at[idx_v.at[pl.ds(c * C, C)]], rows_v.at[b], gsem.at[b]
        ).wait()

    def _scatter_start(c, b):
        pltpu.async_copy(
            rows_v.at[b], out_hbm.at[pl.ds(base + c * C, C)], ssem.at[b]
        )

    def _scatter_wait(c, b):
        pltpu.make_async_copy(
            rows_v.at[b], out_hbm.at[pl.ds(base + c * C, C)], ssem.at[b]
        ).wait()

    for g in range(L):
        _gather_start(g, g)

    for c in range(R):
        _gather_wait(c, c % R)
        _scatter_start(c, c % R)
        g = c + L
        bg = g % R
        if g - R >= 0:
            _scatter_wait(g - R, bg)
        _gather_start(g, bg)

    @pl.loop(R, NCHUNK - R, step=R)
    def _steady(i):
        for b in range(R):
            c = i + b
            _gather_wait(c, b)
            _scatter_start(c, b)
            bg = (b + L) % R
            _scatter_wait(c + L - R, bg)
            _gather_start(c + L, bg)

    for c in range(NCHUNK - R, NCHUNK):
        b = c % R
        _gather_wait(c, b)
        _scatter_start(c, b)
        g = c + L
        if g < NCHUNK:
            bg = g % R
            _scatter_wait(g - R, bg)
            _gather_start(g, bg)

    for c in range(NCHUNK - R, NCHUNK):
        _scatter_wait(c, c % R)


@jax.jit
def _emb(flat_ids, table):
    mesh = plsc.VectorSubcoreMesh(core_axis_name="c", subcore_axis_name="s")
    run = pl.kernel(
        _emb_body,
        out_type=jax.ShapeDtypeStruct((B_TOT, D), jnp.float32),
        mesh=mesh,
        scratch_types=[
            pltpu.VMEM((BPW,), jnp.int32),
            pltpu.VMEM((R, C, D), jnp.float32),
            pltpu.SemaphoreType.DMA((R,)),
            pltpu.SemaphoreType.DMA((R,)),
        ],
    )
    return run(flat_ids, table)


def kernel(input_ids, word_embeddings):
    out = _emb(input_ids.astype(jnp.int32), word_embeddings)
    return out.reshape(input_ids.shape[0], input_ids.shape[1], D)

# --- scband reference (transcript-rebuilt; emitter-appended) ---
"""Pipeline reference for scband-llama-embeddings-27874337751183 (READ-ONLY COPY).

The authoritative reference and input builder live on the scoring server;
editing this copy changes nothing except your own understanding.
"""

import jax, jax.numpy as jnp
import numpy as np

VOCAB_SIZE = 100000
HIDDEN_SIZE = 2048
PAD_TOKEN_ID = 0
BATCH = 4
SEQ_LEN = 4096


def setup_inputs(seed: int = 0) -> dict:
    key = jax.random.key(seed)
    k_ids, k_tab = jax.random.split(key)
    input_ids = jax.random.randint(k_ids, (BATCH, SEQ_LEN), 0, VOCAB_SIZE, dtype=jnp.int64 if jax.config.jax_enable_x64 else jnp.int32)
    word_embeddings = jax.random.normal(k_tab, (VOCAB_SIZE, HIDDEN_SIZE), dtype=jnp.float32) * 0.02
    # padding_idx row initialized to zeros, matching nn.Embedding(padding_idx=...)
    word_embeddings = word_embeddings.at[PAD_TOKEN_ID].set(0.0)
    return {"input_ids": input_ids, "word_embeddings": word_embeddings}


def reference(input_ids, word_embeddings):
    # LlamaEmbeddings.forward: embeddings = self.word_embeddings(input_ids)
    embeddings = jnp.take(word_embeddings, input_ids, axis=0)
    return embeddings

if __name__ == "__main__":
    import jax
    _d = setup_inputs()
    print(jax.jit(kernel)(*tuple(_d.values())))

</pallas_src>

<mosaic_0001>
#map = affine_map<(d0, d1) -> (0, 0)>
module attributes {stable_mosaic.version = 14 : i64} {
  func.func @_emb_body(%arg0: i32, %arg1: i32, %arg2: memref<4x4096xi32, #tpu.memory_space<hbm>>, %arg3: memref<100000x2048xf32, #tpu.memory_space<hbm>>, %arg4: memref<16384x2048xf32, #tpu.memory_space<hbm>>, %arg5: memref<512xi32, #tpu.memory_space<vmem>>, %arg6: memref<4x8x2048xf32, #tpu.memory_space<vmem>>, %arg7: memref<4x!tpu.dma_semaphore, #tpu.memory_space<semaphore_mem>>, %arg8: memref<4x!tpu.dma_semaphore, #tpu.memory_space<semaphore_mem>>) attributes {dimension_semantics = [#tpu.dimension_semantics<core_parallel>, #tpu.dimension_semantics<subcore_parallel>], iteration_bounds = array<i64: 2, 16>, scalar_prefetch = 0 : i64, scratch_operands = 4 : i64, tpu.core_type = #tpu.core_type<sc_vector_subcore>, window_params = [{transform_indices = #map}, {transform_indices = #map}, {transform_indices = #map}]} {
    %mul3A = arith.constant 2 : i32
    %mul3A_0 = arith.muli %arg1, %mul3A : i32
    %add3A = arith.addi %mul3A_0, %arg0 : i32
    %mul3A_1 = arith.constant 512 : i32
    %mul3A_2 = arith.muli %add3A, %mul3A_1 : i32
    %jit3A = arith.constant 8 : i32
    %div3A = arith.divsi %add3A, %jit3A : i32
    %sign3A = arith.constant 0 : i32
    %sign3A_3 = arith.cmpi sgt, %add3A, %sign3A : i32
    %sign3A_4 = arith.extui %sign3A_3 : i1 to i32
    %sign3A_5 = arith.constant 0 : i32
    %sign3A_6 = arith.cmpi slt, %add3A, %sign3A_5 : i32
    %sign3A_7 = arith.extui %sign3A_6 : i1 to i32
    %sign3A_8 = arith.subi %sign3A_4, %sign3A_7 : i32
    %sign3A_9 = arith.constant 0 : i32
    %sign3A_10 = arith.cmpi sgt, %jit3A, %sign3A_9 : i32
    %sign3A_11 = arith.extui %sign3A_10 : i1 to i32
    %sign3A_12 = arith.constant 0 : i32
    %sign3A_13 = arith.cmpi slt, %jit3A, %sign3A_12 : i32
    %sign3A_14 = arith.extui %sign3A_13 : i1 to i32
    %sign3A_15 = arith.subi %sign3A_11, %sign3A_14 : i32
    %ne3A = arith.cmpi ne, %sign3A_8, %sign3A_15 : i32
    %rem3A = arith.remsi %add3A, %jit3A : i32
    %ne3A_16 = arith.constant 0 : i32
    %ne3A_17 = arith.cmpi ne, %rem3A, %ne3A_16 : i32
    %and3A = arith.andi %ne3A, %ne3A_17 : i1
    %sub3A = arith.constant 1 : i32
    %sub3A_18 = arith.subi %div3A, %sub3A : i32
    %select_n3A = arith.select %and3A, %sub3A_18, %div3A : i32
    %jit3A_19 = arith.constant 8 : i32
    %eq3A = arith.constant 0 : i32
    %eq3A_20 = arith.cmpi eq, %jit3A_19, %eq3A : i32
    %jit3A_21 = arith.constant 1 : i32
    %select_n3A_22 = arith.select %eq3A_20, %jit3A_21, %jit3A_19 : i32
    %rem3A_23 = arith.remsi %add3A, %select_n3A_22 : i32
    %ne3A_24 = arith.constant 0 : i32
    %ne3A_25 = arith.cmpi ne, %rem3A_23, %ne3A_24 : i32
    %lt3A = arith.constant 0 : i32
    %lt3A_26 = arith.cmpi slt, %rem3A_23, %lt3A : i32
    %lt3A_27 = arith.constant 0 : i32
    %lt3A_28 = arith.cmpi slt, %select_n3A_22, %lt3A_27 : i32
    %ne3A_29 = arith.xori %lt3A_26, %lt3A_28 : i1
    %and3A_30 = arith.andi %ne3A_29, %ne3A_25 : i1
    %add3A_31 = arith.addi %rem3A_23, %select_n3A_22 : i32
    %select_n3A_32 = arith.select %and3A_30, %add3A_31, %rem3A_23 : i32
    %mul3A_33 = arith.constant 512 : i32
    %mul3A_34 = arith.muli %select_n3A_32, %mul3A_33 : i32
    "tpu.region"() ({
      %run_scoped3A = tpu.sem_alloc : memref<!tpu.dma_semaphore, #tpu.memory_space<semaphore_mem>>
      %dma_start3A_533 = tpu.memref_slice %arg2[%select_n3A, %mul3A_34] : memref<4x4096xi32, #tpu.memory_space<hbm>> -> memref<1x512xi32, #tpu.memory_space<hbm>>
      %dma_start3A_534 = tpu.memref_squeeze %dma_start3A_533 : memref<1x512xi32, #tpu.memory_space<hbm>> -> memref<512xi32, #tpu.memory_space<hbm>>
      %dma_start3A_535 = tpu.memref_slice %arg2[%select_n3A, %mul3A_34] : memref<4x4096xi32, #tpu.memory_space<hbm>> -> memref<1x512xi32, #tpu.memory_space<hbm>>
      %dma_start3A_536 = tpu.memref_squeeze %dma_start3A_535 : memref<1x512xi32, #tpu.memory_space<hbm>> -> memref<512xi32, #tpu.memory_space<hbm>>
      tpu.enqueue_dma source(%dma_start3A_536 : memref<512xi32, #tpu.memory_space<hbm>>) target(%arg5 : memref<512xi32, #tpu.memory_space<vmem>>) target_semaphore(%run_scoped3A : memref<!tpu.dma_semaphore, #tpu.memory_space<semaphore_mem>>)
      %dma_wait3A_537 = tpu.memref_slice %arg2[%select_n3A, %mul3A_34] : memref<4x4096xi32, #tpu.memory_space<hbm>> -> memref<1x512xi32, #tpu.memory_space<hbm>>
      %dma_wait3A_538 = tpu.memref_squeeze %dma_wait3A_537 : memref<1x512xi32, #tpu.memory_space<hbm>> -> memref<512xi32, #tpu.memory_space<hbm>>
      %dma_wait3A_539 = tpu.memref_slice %arg2[%select_n3A, %mul3A_34] : memref<4x4096xi32, #tpu.memory_space<hbm>> -> memref<1x512xi32, #tpu.memory_space<hbm>>
      %dma_wait3A_540 = tpu.memref_squeeze %dma_wait3A_539 : memref<1x512xi32, #tpu.memory_space<hbm>> -> memref<512xi32, #tpu.memory_space<hbm>>
      tpu.wait_dma2 semaphore(%run_scoped3A : memref<!tpu.dma_semaphore, #tpu.memory_space<semaphore_mem>>) src(%dma_wait3A_540 : memref<512xi32, #tpu.memory_space<hbm>>) dst(%arg5 : memref<512xi32, #tpu.memory_space<vmem>>)
      tpu.yield
    }) : () -> ()
    %dma_start3A = arith.constant 0 : i32
    %dma_start3A_35 = arith.constant 0 : i32
    %dma_start3A_36 = arith.constant 0 : i32
    %dma_start3A_37 = arith.constant 0 : i32
    %dma_start3A_38 = tpu.memref_slice %arg6[%dma_start3A, %dma_start3A_36, %dma_start3A_37] : memref<4x8x2048xf32, #tpu.memory_space<vmem>> -> memref<1x8x2048xf32, #tpu.memory_space<vmem>>
    %dma_start3A_39 = tpu.memref_squeeze %dma_start3A_38 : memref<1x8x2048xf32, #tpu.memory_space<vmem>> -> memref<8x2048xf32, #tpu.memory_space<vmem>>
    %dma_start3A_40 = arith.constant 0 : i32
    %dma_start3A_41 = tpu.memref_slice %arg5[%dma_start3A_40] : memref<512xi32, #tpu.memory_space<vmem>> -> memref<8xi32, #tpu.memory_space<vmem>>
    %dma_start3A_42 = arith.constant 0 : i32
    %dma_start3A_43 = arith.constant 0 : i32
    %dma_start3A_44 = tpu.memref_slice %arg3[%dma_start3A_42, %dma_start3A_43] : memref<100000x2048xf32, #tpu.memory_space<hbm>> -> memref<100000x2048xf32, #tpu.memory_space<hbm>>
    %dma_start3A_45 = tpu.memref_slice %arg7[%dma_start3A_35] : memref<4x!tpu.dma_semaphore, #tpu.memory_space<semaphore_mem>> -> memref<1x!tpu.dma_semaphore, #tpu.memory_space<semaphore_mem>>
    %dma_start3A_46 = tpu.memref_squeeze %dma_start3A_45 : memref<1x!tpu.dma_semaphore, #tpu.memory_space<semaphore_mem>> -> memref<!tpu.dma_semaphore, #tpu.memory_space<semaphore_mem>>
    tpu.enqueue_indirect_dma source(%dma_start3A_44 : memref<100000x2048xf32, #tpu.memory_space<hbm>>) target(%dma_start3A_39 : memref<8x2048xf32, #tpu.memory_space<vmem>>) offsets(%dma_start3A_41 : memref<8xi32, #tpu.memory_space<vmem>>) semaphore(%dma_start3A_46 : memref<!tpu.dma_semaphore, #tpu.memory_space<semaphore_mem>>)
    %dma_start3A_47 = arith.constant 1 : i32
    %dma_start3A_48 = arith.constant 1 : i32
    %dma_start3A_49 = arith.constant 0 : i32
    %dma_start3A_50 = arith.constant 0 : i32
    %dma_start3A_51 = tpu.memref_slice %arg6[%dma_start3A_47, %dma_start3A_49, %dma_start3A_50] : memref<4x8x2048xf32, #tpu.memory_space<vmem>> -> memref<1x8x2048xf32, #tpu.memory_space<vmem>>
    %dma_start3A_52 = tpu.memref_squeeze %dma_start3A_51 : memref<1x8x2048xf32, #tpu.memory_space<vmem>> -> memref<8x2048xf32, #tpu.memory_space<vmem>>
    %dma_start3A_53 = arith.constant 8 : i32
    %dma_start3A_54 = tpu.memref_slice %arg5[%dma_start3A_53] : memref<512xi32, #tpu.memory_space<vmem>> -> memref<8xi32, #tpu.memory_space<vmem>>
    %dma_start3A_55 = arith.constant 0 : i32
    %dma_start3A_56 = arith.constant 0 : i32
    %dma_start3A_57 = tpu.memref_slice %arg3[%dma_start3A_55, %dma_start3A_56] : memref<100000x2048xf32, #tpu.memory_space<hbm>> -> memref<100000x2048xf32, #tpu.memory_space<hbm>>
    %dma_start3A_58 = tpu.memref_slice %arg7[%dma_start3A_48] : memref<4x!tpu.dma_semaphore, #tpu.memory_space<semaphore_mem>> -> memref<1x!tpu.dma_semaphore, #tpu.memory_space<semaphore_mem>>
    %dma_start3A_59 = tpu.memref_squeeze %dma_start3A_58 : memref<1x!tpu.dma_semaphore, #tpu.memory_space<semaphore_mem>> -> memref<!tpu.dma_semaphore, #tpu.memory_space<semaphore_mem>>
    tpu.enqueue_indirect_dma source(%dma_start3A_57 : memref<100000x2048xf32, #tpu.memory_space<hbm>>) target(%dma_start3A_52 : memref<8x2048xf32, #tpu.memory_space<vmem>>) offsets(%dma_start3A_54 : memref<8xi32, #tpu.memory_space<vmem>>) semaphore(%dma_start3A_59 : memref<!tpu.dma_semaphore, #tpu.memory_space<semaphore_mem>>)
    %dma_wait3A = arith.constant 0 : i32
    %dma_wait3A_60 = arith.constant 0 : i32
    %dma_wait3A_61 = arith.constant 0 : i32
    %dma_wait3A_62 = arith.constant 0 : i32
    %dma_wait3A_63 = tpu.memref_slice %arg6[%dma_wait3A, %dma_wait3A_61, %dma_wait3A_62] : memref<4x8x2048xf32, #tpu.memory_space<vmem>> -> memref<1x8x2048xf32, #tpu.memory_space<vmem>>
    %dma_wait3A_64 = tpu.memref_squeeze %dma_wait3A_63 : memref<1x8x2048xf32, #tpu.memory_space<vmem>> -> memref<8x2048xf32, #tpu.memory_space<vmem>>
    %dma_wait3A_65 = arith.constant 0 : i32
    %dma_wait3A_66 = tpu.memref_slice %arg5[%dma_wait3A_65] : memref<512xi32, #tpu.memory_space<vmem>> -> memref<8xi32, #tpu.memory_space<vmem>>
    %dma_wait3A_67 = arith.constant 0 : i32
    %dma_wait3A_68 = arith.constant 0 : i32
    %dma_wait3A_69 = tpu.memref_slice %arg3[%dma_wait3A_67, %dma_wait3A_68] : memref<100000x2048xf32, #tpu.memory_space<hbm>> -> memref<100000x2048xf32, #tpu.memory_space<hbm>>
    %dma_wait3A_70 = tpu.memref_slice %arg7[%dma_wait3A_60] : memref<4x!tpu.dma_semaphore, #tpu.memory_space<semaphore_mem>> -> memref<1x!tpu.dma_semaphore, #tpu.memory_space<semaphore_mem>>
    %dma_wait3A_71 = tpu.memref_squeeze %dma_wait3A_70 : memref<1x!tpu.dma_semaphore, #tpu.memory_space<semaphore_mem>> -> memref<!tpu.dma_semaphore, #tpu.memory_space<semaphore_mem>>
    tpu.wait_indirect_dma semaphore(%dma_wait3A_71 : memref<!tpu.dma_semaphore, #tpu.memory_space<semaphore_mem>>) src(%dma_wait3A_69 : memref<100000x2048xf32, #tpu.memory_space<hbm>>) dst(%dma_wait3A_64 : memref<8x2048xf32, #tpu.memory_space<vmem>>)
    %add3A_72 = arith.constant 0 : i32
    %add3A_73 = arith.addi %mul3A_2, %add3A_72 : i32
    %dma_start3A_74 = arith.constant 0 : i32
    %dma_start3A_75 = arith.constant 0 : i32
    %dma_start3A_76 = arith.constant 0 : i32
    %dma_start3A_77 = arith.constant 0 : i32
    %dma_start3A_78 = tpu.memref_slice %arg6[%dma_start3A_74, %dma_start3A_76, %dma_start3A_77] : memref<4x8x2048xf32, #tpu.memory_space<vmem>> -> memref<1x8x2048xf32, #tpu.memory_space<vmem>>
    %dma_start3A_79 = tpu.memref_squeeze %dma_start3A_78 : memref<1x8x2048xf32, #tpu.memory_space<vmem>> -> memref<8x2048xf32, #tpu.memory_space<vmem>>
    %dma_start3A_80 = arith.constant 0 : i32
    %dma_start3A_81 = tpu.memref_slice %arg4[%add3A_73, %dma_start3A_80] : memref<16384x2048xf32, #tpu.memory_space<hbm>> -> memref<8x2048xf32, #tpu.memory_space<hbm>>
    %dma_start3A_82 = tpu.memref_slice %arg8[%dma_start3A_75] : memref<4x!tpu.dma_semaphore, #tpu.memory_space<semaphore_mem>> -> memref<1x!tpu.dma_semaphore, #tpu.memory_space<semaphore_mem>>
    %dma_start3A_83 = tpu.memref_squeeze %dma_start3A_82 : memref<1x!tpu.dma_semaphore, #tpu.memory_space<semaphore_mem>> -> memref<!tpu.dma_semaphore, #tpu.memory_space<semaphore_mem>>
    %dma_start3A_84 = arith.constant 0 : i32
    %dma_start3A_85 = tpu.memref_slice %arg4[%add3A_73, %dma_start3A_84] : memref<16384x2048xf32, #tpu.memory_space<hbm>> -> memref<8x2048xf32, #tpu.memory_space<hbm>>
    %dma_start3A_86 = arith.constant 0 : i32
    %dma_start3A_87 = arith.constant 0 : i32
    %dma_start3A_88 = tpu.memref_slice %arg6[%dma_start3A_74, %dma_start3A_86, %dma_start3A_87] : memref<4x8x2048xf32, #tpu.memory_space<vmem>> -> memref<1x8x2048xf32, #tpu.memory_space<vmem>>
    %dma_start3A_89 = tpu.memref_squeeze %dma_start3A_88 : memref<1x8x2048xf32, #tpu.memory_space<vmem>> -> memref<8x2048xf32, #tpu.memory_space<vmem>>
    tpu.enqueue_dma source(%dma_start3A_89 : memref<8x2048xf32, #tpu.memory_space<vmem>>) target(%dma_start3A_85 : memref<8x2048xf32, #tpu.memory_space<hbm>>) target_semaphore(%dma_start3A_83 : memref<!tpu.dma_semaphore, #tpu.memory_space<semaphore_mem>>)
    %dma_start3A_90 = arith.constant 2 : i32
    %dma_start3A_91 = arith.constant 2 : i32
    %dma_start3A_92 = arith.constant 0 : i32
    %dma_start3A_93 = arith.constant 0 : i32
    %dma_start3A_94 = tpu.memref_slice %arg6[%dma_start3A_90, %dma_start3A_92, %dma_start3A_93] : memref<4x8x2048xf32, #tpu.memory_space<vmem>> -> memref<1x8x2048xf32, #tpu.memory_space<vmem>>
    %dma_start3A_95 = tpu.memref_squeeze %dma_start3A_94 : memref<1x8x2048xf32, #tpu.memory_space<vmem>> -> memref<8x2048xf32, #tpu.memory_space<vmem>>
    %dma_start3A_96 = arith.constant 16 : i32
    %dma_start3A_97 = tpu.memref_slice %arg5[%dma_start3A_96] : memref<512xi32, #tpu.memory_space<vmem>> -> memref<8xi32, #tpu.memory_space<vmem>>
    %dma_start3A_98 = arith.constant 0 : i32
    %dma_start3A_99 = arith.constant 0 : i32
    %dma_start3A_100 = tpu.memref_slice %arg3[%dma_start3A_98, %dma_start3A_99] : memref<100000x2048xf32, #tpu.memory_space<hbm>> -> memref<100000x2048xf32, #tpu.memory_space<hbm>>
    %dma_start3A_101 = tpu.memref_slice %arg7[%dma_start3A_91] : memref<4x!tpu.dma_semaphore, #tpu.memory_space<semaphore_mem>> -> memref<1x!tpu.dma_semaphore, #tpu.memory_space<semaphore_mem>>
    %dma_start3A_102 = tpu.memref_squeeze %dma_start3A_101 : memref<1x!tpu.dma_semaphore, #tpu.memory_space<semaphore_mem>> -> memref<!tpu.dma_semaphore, #tpu.memory_space<semaphore_mem>>
    tpu.enqueue_indirect_dma source(%dma_start3A_100 : memref<100000x2048xf32, #tpu.memory_space<hbm>>) target(%dma_start3A_95 : memref<8x2048xf32, #tpu.memory_space<vmem>>) offsets(%dma_start3A_97 : memref<8xi32, #tpu.memory_space<vmem>>) semaphore(%dma_start3A_102 : memref<!tpu.dma_semaphore, #tpu.memory_space<semaphore_mem>>)
    %dma_wait3A_103 = arith.constant 1 : i32
    %dma_wait3A_104 = arith.constant 1 : i32
    %dma_wait3A_105 = arith.constant 0 : i32
    %dma_wait3A_106 = arith.constant 0 : i32
    %dma_wait3A_107 = tpu.memref_slice %arg6[%dma_wait3A_103, %dma_wait3A_105, %dma_wait3A_106] : memref<4x8x2048xf32, #tpu.memory_space<vmem>> -> memref<1x8x2048xf32, #tpu.memory_space<vmem>>
    %dma_wait3A_108 = tpu.memref_squeeze %dma_wait3A_107 : memref<1x8x2048xf32, #tpu.memory_space<vmem>> -> memref<8x2048xf32, #tpu.memory_space<vmem>>
    %dma_wait3A_109 = arith.constant 8 : i32
    %dma_wait3A_110 = tpu.memref_slice %arg5[%dma_wait3A_109] : memref<512xi32, #tpu.memory_space<vmem>> -> memref<8xi32, #tpu.memory_space<vmem>>
    %dma_wait3A_111 = arith.constant 0 : i32
    %dma_wait3A_112 = arith.constant 0 : i32
    %dma_wait3A_113 = tpu.memref_slice %arg3[%dma_wait3A_111, %dma_wait3A_112] : memref<100000x2048xf32, #tpu.memory_space<hbm>> -> memref<100000x2048xf32, #tpu.memory_space<hbm>>
    %dma_wait3A_114 = tpu.memref_slice %arg7[%dma_wait3A_104] : memref<4x!tpu.dma_semaphore, #tpu.memory_space<semaphore_mem>> -> memref<1x!tpu.dma_semaphore, #tpu.memory_space<semaphore_mem>>
    %dma_wait3A_115 = tpu.memref_squeeze %dma_wait3A_114 : memref<1x!tpu.dma_semaphore, #tpu.memory_space<semaphore_mem>> -> memref<!tpu.dma_semaphore, #tpu.memory_space<semaphore_mem>>
    tpu.wait_indirect_dma semaphore(%dma_wait3A_115 : memref<!tpu.dma_semaphore, #tpu.memory_space<semaphore_mem>>) src(%dma_wait3A_113 : memref<100000x2048xf32, #tpu.memory_space<hbm>>) dst(%dma_wait3A_108 : memref<8x2048xf32, #tpu.memory_space<vmem>>)
    %add3A_116 = arith.constant 8 : i32
    %add3A_117 = arith.addi %mul3A_2, %add3A_116 : i32
    %dma_start3A_118 = arith.constant 1 : i32
    %dma_start3A_119 = arith.constant 1 : i32
    %dma_start3A_120 = arith.constant 0 : i32
    %dma_start3A_121 = arith.constant 0 : i32
    %dma_start3A_122 = tpu.memref_slice %arg6[%dma_start3A_118, %dma_start3A_120, %dma_start3A_121] : memref<4x8x2048xf32, #tpu.memory_space<vmem>> -> memref<1x8x2048xf32, #tpu.memory_space<vmem>>
    %dma_start3A_123 = tpu.memref_squeeze %dma_start3A_122 : memref<1x8x2048xf32, #tpu.memory_space<vmem>> -> memref<8x2048xf32, #tpu.memory_space<vmem>>
    %dma_start3A_124 = arith.constant 0 : i32
    %dma_start3A_125 = tpu.memref_slice %arg4[%add3A_117, %dma_start3A_124] : memref<16384x2048xf32, #tpu.memory_space<hbm>> -> memref<8x2048xf32, #tpu.memory_space<hbm>>
    %dma_start3A_126 = tpu.memref_slice %arg8[%dma_start3A_119] : memref<4x!tpu.dma_semaphore, #tpu.memory_space<semaphore_mem>> -> memref<1x!tpu.dma_semaphore, #tpu.memory_space<semaphore_mem>>
    %dma_start3A_127 = tpu.memref_squeeze %dma_start3A_126 : memref<1x!tpu.dma_semaphore, #tpu.memory_space<semaphore_mem>> -> memref<!tpu.dma_semaphore, #tpu.memory_space<semaphore_mem>>
    %dma_start3A_128 = arith.constant 0 : i32
    %dma_start3A_129 = tpu.memref_slice %arg4[%add3A_117, %dma_start3A_128] : memref<16384x2048xf32, #tpu.memory_space<hbm>> -> memref<8x2048xf32, #tpu.memory_space<hbm>>
    %dma_start3A_130 = arith.constant 0 : i32
    %dma_start3A_131 = arith.constant 0 : i32
    %dma_start3A_132 = tpu.memref_slice %arg6[%dma_start3A_118, %dma_start3A_130, %dma_start3A_131] : memref<4x8x2048xf32, #tpu.memory_space<vmem>> -> memref<1x8x2048xf32, #tpu.memory_space<vmem>>
    %dma_start3A_133 = tpu.memref_squeeze %dma_start3A_132 : memref<1x8x2048xf32, #tpu.memory_space<vmem>> -> memref<8x2048xf32, #tpu.memory_space<vmem>>
    tpu.enqueue_dma source(%dma_start3A_133 : memref<8x2048xf32, #tpu.memory_space<vmem>>) target(%dma_start3A_129 : memref<8x2048xf32, #tpu.memory_space<hbm>>) target_semaphore(%dma_start3A_127 : memref<!tpu.dma_semaphore, #tpu.memory_space<semaphore_mem>>)
    %dma_start3A_134 = arith.constant 3 : i32
    %dma_start3A_135 = arith.constant 3 : i32
    %dma_start3A_136 = arith.constant 0 : i32
    %dma_start3A_137 = arith.constant 0 : i32
    %dma_start3A_138 = tpu.memref_slice %arg6[%dma_start3A_134, %dma_start3A_136, %dma_start3A_137] : memref<4x8x2048xf32, #tpu.memory_space<vmem>> -> memref<1x8x2048xf32, #tpu.memory_space<vmem>>
    %dma_start3A_139 = tpu.memref_squeeze %dma_start3A_138 : memref<1x8x2048xf32, #tpu.memory_space<vmem>> -> memref<8x2048xf32, #tpu.memory_space<vmem>>
    %dma_start3A_140 = arith.constant 24 : i32
    %dma_start3A_141 = tpu.memref_slice %arg5[%dma_start3A_140] : memref<512xi32, #tpu.memory_space<vmem>> -> memref<8xi32, #tpu.memory_space<vmem>>
    %dma_start3A_142 = arith.constant 0 : i32
    %dma_start3A_143 = arith.constant 0 : i32
    %dma_start3A_144 = tpu.memref_slice %arg3[%dma_start3A_142, %dma_start3A_143] : memref<100000x2048xf32, #tpu.memory_space<hbm>> -> memref<100000x2048xf32, #tpu.memory_space<hbm>>
    %dma_start3A_145 = tpu.memref_slice %arg7[%dma_start3A_135] : memref<4x!tpu.dma_semaphore, #tpu.memory_space<semaphore_mem>> -> memref<1x!tpu.dma_semaphore, #tpu.memory_space<semaphore_mem>>
    %dma_start3A_146 = tpu.memref_squeeze %dma_start3A_145 : memref<1x!tpu.dma_semaphore, #tpu.memory_space<semaphore_mem>> -> memref<!tpu.dma_semaphore, #tpu.memory_space<semaphore_mem>>
    tpu.enqueue_indirect_dma source(%dma_start3A_144 : memref<100000x2048xf32, #tpu.memory_space<hbm>>) target(%dma_start3A_139 : memref<8x2048xf32, #tpu.memory_space<vmem>>) offsets(%dma_start3A_141 : memref<8xi32, #tpu.memory_space<vmem>>) semaphore(%dma_start3A_146 : memref<!tpu.dma_semaphore, #tpu.memory_space<semaphore_mem>>)
    %dma_wait3A_147 = arith.constant 2 : i32
    %dma_wait3A_148 = arith.constant 2 : i32
    %dma_wait3A_149 = arith.constant 0 : i32
    %dma_wait3A_150 = arith.constant 0 : i32
    %dma_wait3A_151 = tpu.memref_slice %arg6[%dma_wait3A_147, %dma_wait3A_149, %dma_wait3A_150] : memref<4x8x2048xf32, #tpu.memory_space<vmem>> -> memref<1x8x2048xf32, #tpu.memory_space<vmem>>
    %dma_wait3A_152 = tpu.memref_squeeze %dma_wait3A_151 : memref<1x8x2048xf32, #tpu.memory_space<vmem>> -> memref<8x2048xf32, #tpu.memory_space<vmem>>
    %dma_wait3A_153 = arith.constant 16 : i32
    %dma_wait3A_154 = tpu.memref_slice %arg5[%dma_wait3A_153] : memref<512xi32, #tpu.memory_space<vmem>> -> memref<8xi32, #tpu.memory_space<vmem>>
    %dma_wait3A_155 = arith.constant 0 : i32
    %dma_wait3A_156 = arith.constant 0 : i32
    %dma_wait3A_157 = tpu.memref_slice %arg3[%dma_wait3A_155, %dma_wait3A_156] : memref<100000x2048xf32, #tpu.memory_space<hbm>> -> memref<100000x2048xf32, #tpu.memory_space<hbm>>
    %dma_wait3A_158 = tpu.memref_slice %arg7[%dma_wait3A_148] : memref<4x!tpu.dma_semaphore, #tpu.memory_space<semaphore_mem>> -> memref<1x!tpu.dma_semaphore, #tpu.memory_space<semaphore_mem>>
    %dma_wait3A_159 = tpu.memref_squeeze %dma_wait3A_158 : memref<1x!tpu.dma_semaphore, #tpu.memory_space<semaphore_mem>> -> memref<!tpu.dma_semaphore, #tpu.memory_space<semaphore_mem>>
    tpu.wait_indirect_dma semaphore(%dma_wait3A_159 : memref<!tpu.dma_semaphore, #tpu.memory_space<semaphore_mem>>) src(%dma_wait3A_157 : memref<100000x2048xf32, #tpu.memory_space<hbm>>) dst(%dma_wait3A_152 : memref<8x2048xf32, #tpu.memory_space<vmem>>)
    %add3A_160 = arith.constant 16 : i32
    %add3A_161 = arith.addi %mul3A_2, %add3A_160 : i32
    %dma_start3A_162 = arith.constant 2 : i32
    %dma_start3A_163 = arith.constant 2 : i32
    %dma_start3A_164 = arith.constant 0 : i32
    %dma_start3A_165 = arith.constant 0 : i32
    %dma_start3A_166 = tpu.memref_slice %arg6[%dma_start3A_162, %dma_start3A_164, %dma_start3A_165] : memref<4x8x2048xf32, #tpu.memory_space<vmem>> -> memref<1x8x2048xf32, #tpu.memory_space<vmem>>
    %dma_start3A_167 = tpu.memref_squeeze %dma_start3A_166 : memref<1x8x2048xf32, #tpu.memory_space<vmem>> -> memref<8x2048xf32, #tpu.memory_space<vmem>>
    %dma_start3A_168 = arith.constant 0 : i32
    %dma_start3A_169 = tpu.memref_slice %arg4[%add3A_161, %dma_start3A_168] : memref<16384x2048xf32, #tpu.memory_space<hbm>> -> memref<8x2048xf32, #tpu.memory_space<hbm>>
    %dma_start3A_170 = tpu.memref_slice %arg8[%dma_start3A_163] : memref<4x!tpu.dma_semaphore, #tpu.memory_space<semaphore_mem>> -> memref<1x!tpu.dma_semaphore, #tpu.memory_space<semaphore_mem>>
    %dma_start3A_171 = tpu.memref_squeeze %dma_start3A_170 : memref<1x!tpu.dma_semaphore, #tpu.memory_space<semaphore_mem>> -> memref<!tpu.dma_semaphore, #tpu.memory_space<semaphore_mem>>
    %dma_start3A_172 = arith.constant 0 : i32
    %dma_start3A_173 = tpu.memref_slice %arg4[%add3A_161, %dma_start3A_172] : memref<16384x2048xf32, #tpu.memory_space<hbm>> -> memref<8x2048xf32, #tpu.memory_space<hbm>>
    %dma_start3A_174 = arith.constant 0 : i32
    %dma_start3A_175 = arith.constant 0 : i32
    %dma_start3A_176 = tpu.memref_slice %arg6[%dma_start3A_162, %dma_start3A_174, %dma_start3A_175] : memref<4x8x2048xf32, #tpu.memory_space<vmem>> -> memref<1x8x2048xf32, #tpu.memory_space<vmem>>
    %dma_start3A_177 = tpu.memref_squeeze %dma_start3A_176 : memref<1x8x2048xf32, #tpu.memory_space<vmem>> -> memref<8x2048xf32, #tpu.memory_space<vmem>>
    tpu.enqueue_dma source(%dma_start3A_177 : memref<8x2048xf32, #tpu.memory_space<vmem>>) target(%dma_start3A_173 : memref<8x2048xf32, #tpu.memory_space<hbm>>) target_semaphore(%dma_start3A_171 : memref<!tpu.dma_semaphore, #tpu.memory_space<semaphore_mem>>)
    %add3A_178 = arith.constant 0 : i32
    %add3A_179 = arith.addi %mul3A_2, %add3A_178 : i32
    %dma_wait3A_180 = arith.constant 0 : i32
    %dma_wait3A_181 = arith.constant 0 : i32
    %dma_wait3A_182 = arith.constant 0 : i32
    %dma_wait3A_183 = arith.constant 0 : i32
    %dma_wait3A_184 = tpu.memref_slice %arg6[%dma_wait3A_180, %dma_wait3A_182, %dma_wait3A_183] : memref<4x8x2048xf32, #tpu.memory_space<vmem>> -> memref<1x8x2048xf32, #tpu.memory_space<vmem>>
    %dma_wait3A_185 = tpu.memref_squeeze %dma_wait3A_184 : memref<1x8x2048xf32, #tpu.memory_space<vmem>> -> memref<8x2048xf32, #tpu.memory_space<vmem>>
    %dma_wait3A_186 = arith.constant 0 : i32
    %dma_wait3A_187 = tpu.memref_slice %arg4[%add3A_179, %dma_wait3A_186] : memref<16384x2048xf32, #tpu.memory_space<hbm>> -> memref<8x2048xf32, #tpu.memory_space<hbm>>
    %dma_wait3A_188 = tpu.memref_slice %arg8[%dma_wait3A_181] : memref<4x!tpu.dma_semaphore, #tpu.memory_space<semaphore_mem>> -> memref<1x!tpu.dma_semaphore, #tpu.memory_space<semaphore_mem>>
    %dma_wait3A_189 = tpu.memref_squeeze %dma_wait3A_188 : memref<1x!tpu.dma_semaphore, #tpu.memory_space<semaphore_mem>> -> memref<!tpu.dma_semaphore, #tpu.memory_space<semaphore_mem>>
    %dma_wait3A_190 = arith.constant 0 : i32
    %dma_wait3A_191 = tpu.memref_slice %arg4[%add3A_179, %dma_wait3A_190] : memref<16384x2048xf32, #tpu.memory_space<hbm>> -> memref<8x2048xf32, #tpu.memory_space<hbm>>
    %dma_wait3A_192 = arith.constant 0 : i32
    %dma_wait3A_193 = arith.constant 0 : i32
    %dma_wait3A_194 = tpu.memref_slice %arg6[%dma_wait3A_180, %dma_wait3A_192, %dma_wait3A_193] : memref<4x8x2048xf32, #tpu.memory_space<vmem>> -> memref<1x8x2048xf32, #tpu.memory_space<vmem>>
    %dma_wait3A_195 = tpu.memref_squeeze %dma_wait3A_194 : memref<1x8x2048xf32, #tpu.memory_space<vmem>> -> memref<8x2048xf32, #tpu.memory_space<vmem>>
    tpu.wait_dma2 semaphore(%dma_wait3A_189 : memref<!tpu.dma_semaphore, #tpu.memory_space<semaphore_mem>>) src(%dma_wait3A_195 : memref<8x2048xf32, #tpu.memory_space<vmem>>) dst(%dma_wait3A_191 : memref<8x2048xf32, #tpu.memory_space<hbm>>)
    %dma_start3A_196 = arith.constant 0 : i32
    %dma_start3A_197 = arith.constant 0 : i32
    %dma_start3A_198 = arith.constant 0 : i32
    %dma_start3A_199 = arith.constant 0 : i32
    %dma_start3A_200 = tpu.memref_slice %arg6[%dma_start3A_196, %dma_start3A_198, %dma_start3A_199] : memref<4x8x2048xf32, #tpu.memory_space<vmem>> -> memref<1x8x2048xf32, #tpu.memory_space<vmem>>
    %dma_start3A_201 = tpu.memref_squeeze %dma_start3A_200 : memref<1x8x2048xf32, #tpu.memory_space<vmem>> -> memref<8x2048xf32, #tpu.memory_space<vmem>>
    %dma_start3A_202 = arith.constant 32 : i32
    %dma_start3A_203 = tpu.memref_slice %arg5[%dma_start3A_202] : memref<512xi32, #tpu.memory_space<vmem>> -> memref<8xi32, #tpu.memory_space<vmem>>
    %dma_start3A_204 = arith.constant 0 : i32
    %dma_start3A_205 = arith.constant 0 : i32
    %dma_start3A_206 = tpu.memref_slice %arg3[%dma_start3A_204, %dma_start3A_205] : memref<100000x2048xf32, #tpu.memory_space<hbm>> -> memref<100000x2048xf32, #tpu.memory_space<hbm>>
    %dma_start3A_207 = tpu.memref_slice %arg7[%dma_start3A_197] : memref<4x!tpu.dma_semaphore, #tpu.memory_space<semaphore_mem>> -> memref<1x!tpu.dma_semaphore, #tpu.memory_space<semaphore_mem>>
    %dma_start3A_208 = tpu.memref_squeeze %dma_start3A_207 : memref<1x!tpu.dma_semaphore, #tpu.memory_space<semaphore_mem>> -> memref<!tpu.dma_semaphore, #tpu.memory_space<semaphore_mem>>
    tpu.enqueue_indirect_dma source(%dma_start3A_206 : memref<100000x2048xf32, #tpu.memory_space<hbm>>) target(%dma_start3A_201 : memref<8x2048xf32, #tpu.memory_space<vmem>>) offsets(%dma_start3A_203 : memref<8xi32, #tpu.memory_space<vmem>>) semaphore(%dma_start3A_208 : memref<!tpu.dma_semaphore, #tpu.memory_space<semaphore_mem>>)
    %dma_wait3A_209 = arith.constant 3 : i32
    %dma_wait3A_210 = arith.constant 3 : i32
    %dma_wait3A_211 = arith.constant 0 : i32
    %dma_wait3A_212 = arith.constant 0 : i32
    %dma_wait3A_213 = tpu.memref_slice %arg6[%dma_wait3A_209, %dma_wait3A_211, %dma_wait3A_212] : memref<4x8x2048xf32, #tpu.memory_space<vmem>> -> memref<1x8x2048xf32, #tpu.memory_space<vmem>>
    %dma_wait3A_214 = tpu.memref_squeeze %dma_wait3A_213 : memref<1x8x2048xf32, #tpu.memory_space<vmem>> -> memref<8x2048xf32, #tpu.memory_space<vmem>>
    %dma_wait3A_215 = arith.constant 24 : i32
    %dma_wait3A_216 = tpu.memref_slice %arg5[%dma_wait3A_215] : memref<512xi32, #tpu.memory_space<vmem>> -> memref<8xi32, #tpu.memory_space<vmem>>
    %dma_wait3A_217 = arith.constant 0 : i32
    %dma_wait3A_218 = arith.constant 0 : i32
    %dma_wait3A_219 = tpu.memref_slice %arg3[%dma_wait3A_217, %dma_wait3A_218] : memref<100000x2048xf32, #tpu.memory_space<hbm>> -> memref<100000x2048xf32, #tpu.memory_space<hbm>>
    %dma_wait3A_220 = tpu.memref_slice %arg7[%dma_wait3A_210] : memref<4x!tpu.dma_semaphore, #tpu.memory_space<semaphore_mem>> -> memref<1x!tpu.dma_semaphore, #tpu.memory_space<semaphore_mem>>
    %dma_wait3A_221 = tpu.memref_squeeze %dma_wait3A_220 : memref<1x!tpu.dma_semaphore, #tpu.memory_space<semaphore_mem>> -> memref<!tpu.dma_semaphore, #tpu.memory_space<semaphore_mem>>
    tpu.wait_indirect_dma semaphore(%dma_wait3A_221 : memref<!tpu.dma_semaphore, #tpu.memory_space<semaphore_mem>>) src(%dma_wait3A_219 : memref<100000x2048xf32, #tpu.memory_space<hbm>>) dst(%dma_wait3A_214 : memref<8x2048xf32, #tpu.memory_space<vmem>>)
    %add3A_222 = arith.constant 24 : i32
    %add3A_223 = arith.addi %mul3A_2, %add3A_222 : i32
    %dma_start3A_224 = arith.constant 3 : i32
    %dma_start3A_225 = arith.constant 3 : i32
    %dma_start3A_226 = arith.constant 0 : i32
    %dma_start3A_227 = arith.constant 0 : i32
    %dma_start3A_228 = tpu.memref_slice %arg6[%dma_start3A_224, %dma_start3A_226, %dma_start3A_227] : memref<4x8x2048xf32, #tpu.memory_space<vmem>> -> memref<1x8x2048xf32, #tpu.memory_space<vmem>>
    %dma_start3A_229 = tpu.memref_squeeze %dma_start3A_228 : memref<1x8x2048xf32, #tpu.memory_space<vmem>> -> memref<8x2048xf32, #tpu.memory_space<vmem>>
    %dma_start3A_230 = arith.constant 0 : i32
    %dma_start3A_231 = tpu.memref_slice %arg4[%add3A_223, %dma_start3A_230] : memref<16384x2048xf32, #tpu.memory_space<hbm>> -> memref<8x2048xf32, #tpu.memory_space<hbm>>
    %dma_start3A_232 = tpu.memref_slice %arg8[%dma_start3A_225] : memref<4x!tpu.dma_semaphore, #tpu.memory_space<semaphore_mem>> -> memref<1x!tpu.dma_semaphore, #tpu.memory_space<semaphore_mem>>
    %dma_start3A_233 = tpu.memref_squeeze %dma_start3A_232 : memref<1x!tpu.dma_semaphore, #tpu.memory_space<semaphore_mem>> -> memref<!tpu.dma_semaphore, #tpu.memory_space<semaphore_mem>>
    %dma_start3A_234 = arith.constant 0 : i32
    %dma_start3A_235 = tpu.memref_slice %arg4[%add3A_223, %dma_start3A_234] : memref<16384x2048xf32, #tpu.memory_space<hbm>> -> memref<8x2048xf32, #tpu.memory_space<hbm>>
    %dma_start3A_236 = arith.constant 0 : i32
    %dma_start3A_237 = arith.constant 0 : i32
    %dma_start3A_238 = tpu.memref_slice %arg6[%dma_start3A_224, %dma_start3A_236, %dma_start3A_237] : memref<4x8x2048xf32, #tpu.memory_space<vmem>> -> memref<1x8x2048xf32, #tpu.memory_space<vmem>>
    %dma_start3A_239 = tpu.memref_squeeze %dma_start3A_238 : memref<1x8x2048xf32, #tpu.memory_space<vmem>> -> memref<8x2048xf32, #tpu.memory_space<vmem>>
    tpu.enqueue_dma source(%dma_start3A_239 : memref<8x2048xf32, #tpu.memory_space<vmem>>) target(%dma_start3A_235 : memref<8x2048xf32, #tpu.memory_space<hbm>>) target_semaphore(%dma_start3A_233 : memref<!tpu.dma_semaphore, #tpu.memory_space<semaphore_mem>>)
    %add3A_240 = arith.constant 8 : i32
    %add3A_241 = arith.addi %mul3A_2, %add3A_240 : i32
    %dma_wait3A_242 = arith.constant 1 : i32
    %dma_wait3A_243 = arith.constant 1 : i32
    %dma_wait3A_244 = arith.constant 0 : i32
    %dma_wait3A_245 = arith.constant 0 : i32
    %dma_wait3A_246 = tpu.memref_slice %arg6[%dma_wait3A_242, %dma_wait3A_244, %dma_wait3A_245] : memref<4x8x2048xf32, #tpu.memory_space<vmem>> -> memref<1x8x2048xf32, #tpu.memory_space<vmem>>
    %dma_wait3A_247 = tpu.memref_squeeze %dma_wait3A_246 : memref<1x8x2048xf32, #tpu.memory_space<vmem>> -> memref<8x2048xf32, #tpu.memory_space<vmem>>
    %dma_wait3A_248 = arith.constant 0 : i32
    %dma_wait3A_249 = tpu.memref_slice %arg4[%add3A_241, %dma_wait3A_248] : memref<16384x2048xf32, #tpu.memory_space<hbm>> -> memref<8x2048xf32, #tpu.memory_space<hbm>>
    %dma_wait3A_250 = tpu.memref_slice %arg8[%dma_wait3A_243] : memref<4x!tpu.dma_semaphore, #tpu.memory_space<semaphore_mem>> -> memref<1x!tpu.dma_semaphore, #tpu.memory_space<semaphore_mem>>
    %dma_wait3A_251 = tpu.memref_squeeze %dma_wait3A_250 : memref<1x!tpu.dma_semaphore, #tpu.memory_space<semaphore_mem>> -> memref<!tpu.dma_semaphore, #tpu.memory_space<semaphore_mem>>
    %dma_wait3A_252 = arith.constant 0 : i32
    %dma_wait3A_253 = tpu.memref_slice %arg4[%add3A_241, %dma_wait3A_252] : memref<16384x2048xf32, #tpu.memory_space<hbm>> -> memref<8x2048xf32, #tpu.memory_space<hbm>>
    %dma_wait3A_254 = arith.constant 0 : i32
    %dma_wait3A_255 = arith.constant 0 : i32
    %dma_wait3A_256 = tpu.memref_slice %arg6[%dma_wait3A_242, %dma_wait3A_254, %dma_wait3A_255] : memref<4x8x2048xf32, #tpu.memory_space<vmem>> -> memref<1x8x2048xf32, #tpu.memory_space<vmem>>
    %dma_wait3A_257 = tpu.memref_squeeze %dma_wait3A_256 : memref<1x8x2048xf32, #tpu.memory_space<vmem>> -> memref<8x2048xf32, #tpu.memory_space<vmem>>
    tpu.wait_dma2 semaphore(%dma_wait3A_251 : memref<!tpu.dma_semaphore, #tpu.memory_space<semaphore_mem>>) src(%dma_wait3A_257 : memref<8x2048xf32, #tpu.memory_space<vmem>>) dst(%dma_wait3A_253 : memref<8x2048xf32, #tpu.memory_space<hbm>>)
    %dma_start3A_258 = arith.constant 1 : i32
    %dma_start3A_259 = arith.constant 1 : i32
    %dma_start3A_260 = arith.constant 0 : i32
    %dma_start3A_261 = arith.constant 0 : i32
    %dma_start3A_262 = tpu.memref_slice %arg6[%dma_start3A_258, %dma_start3A_260, %dma_start3A_261] : memref<4x8x2048xf32, #tpu.memory_space<vmem>> -> memref<1x8x2048xf32, #tpu.memory_space<vmem>>
    %dma_start3A_263 = tpu.memref_squeeze %dma_start3A_262 : memref<1x8x2048xf32, #tpu.memory_space<vmem>> -> memref<8x2048xf32, #tpu.memory_space<vmem>>
    %dma_start3A_264 = arith.constant 40 : i32
    %dma_start3A_265 = tpu.memref_slice %arg5[%dma_start3A_264] : memref<512xi32, #tpu.memory_space<vmem>> -> memref<8xi32, #tpu.memory_space<vmem>>
    %dma_start3A_266 = arith.constant 0 : i32
    %dma_start3A_267 = arith.constant 0 : i32
    %dma_start3A_268 = tpu.memref_slice %arg3[%dma_start3A_266, %dma_start3A_267] : memref<100000x2048xf32, #tpu.memory_space<hbm>> -> memref<100000x2048xf32, #tpu.memory_space<hbm>>
    %dma_start3A_269 = tpu.memref_slice %arg7[%dma_start3A_259] : memref<4x!tpu.dma_semaphore, #tpu.memory_space<semaphore_mem>> -> memref<1x!tpu.dma_semaphore, #tpu.memory_space<semaphore_mem>>
    %dma_start3A_270 = tpu.memref_squeeze %dma_start3A_269 : memref<1x!tpu.dma_semaphore, #tpu.memory_space<semaphore_mem>> -> memref<!tpu.dma_semaphore, #tpu.memory_space<semaphore_mem>>
    tpu.enqueue_indirect_dma source(%dma_start3A_268 : memref<100000x2048xf32, #tpu.memory_space<hbm>>) target(%dma_start3A_263 : memref<8x2048xf32, #tpu.memory_space<vmem>>) offsets(%dma_start3A_265 : memref<8xi32, #tpu.memory_space<vmem>>) semaphore(%dma_start3A_270 : memref<!tpu.dma_semaphore, #tpu.memory_space<semaphore_mem>>)
    %scan3A = arith.constant 0 : i32
    %scan3A_271 = arith.constant 14 : i32
    %scan3A_272 = arith.addi %scan3A, %scan3A_271 : i32
    %scan3A_273 = arith.constant 1 : i32
    scf.for %scan3A_533 = %scan3A to %scan3A_272 step %scan3A_273  : i32 {
      %mul3A_534 = arith.constant 4 : i32
      %mul3A_535 = arith.muli %scan3A_533, %mul3A_534 : i32
      %add3A_536 = arith.constant 4 : i32
      %add3A_537 = arith.addi %add3A_536, %mul3A_535 : i32
      %add3A_538 = arith.constant 0 : i32
      %add3A_539 = arith.addi %add3A_537, %add3A_538 : i32
      %mul3A_540 = arith.constant 8 : i32
      %mul3A_541 = arith.muli %add3A_539, %mul3A_540 : i32
      %dma_wait3A_542 = arith.constant 0 : i32
      %dma_wait3A_543 = arith.constant 0 : i32
      %dma_wait3A_544 = arith.constant 0 : i32
      %dma_wait3A_545 = arith.constant 0 : i32
      %dma_wait3A_546 = tpu.memref_slice %arg6[%dma_wait3A_542, %dma_wait3A_544, %dma_wait3A_545] : memref<4x8x2048xf32, #tpu.memory_space<vmem>> -> memref<1x8x2048xf32, #tpu.memory_space<vmem>>
      %dma_wait3A_547 = tpu.memref_squeeze %dma_wait3A_546 : memref<1x8x2048xf32, #tpu.memory_space<vmem>> -> memref<8x2048xf32, #tpu.memory_space<vmem>>
      %dma_wait3A_548 = tpu.memref_slice %arg5[%mul3A_541] : memref<512xi32, #tpu.memory_space<vmem>> -> memref<8xi32, #tpu.memory_space<vmem>>
      %dma_wait3A_549 = arith.constant 0 : i32
      %dma_wait3A_550 = arith.constant 0 : i32
      %dma_wait3A_551 = tpu.memref_slice %arg3[%dma_wait3A_549, %dma_wait3A_550] : memref<100000x2048xf32, #tpu.memory_space<hbm>> -> memref<100000x2048xf32, #tpu.memory_space<hbm>>
      %dma_wait3A_552 = tpu.memref_slice %arg7[%dma_wait3A_543] : memref<4x!tpu.dma_semaphore, #tpu.memory_space<semaphore_mem>> -> memref<1x!tpu.dma_semaphore, #tpu.memory_space<semaphore_mem>>
      %dma_wait3A_553 = tpu.memref_squeeze %dma_wait3A_552 : memref<1x!tpu.dma_semaphore, #tpu.memory_space<semaphore_mem>> -> memref<!tpu.dma_semaphore, #tpu.memory_space<semaphore_mem>>
      tpu.wait_indirect_dma semaphore(%dma_wait3A_553 : memref<!tpu.dma_semaphore, #tpu.memory_space<semaphore_mem>>) src(%dma_wait3A_551 : memref<100000x2048xf32, #tpu.memory_space<hbm>>) dst(%dma_wait3A_547 : memref<8x2048xf32, #tpu.memory_space<vmem>>)
      %mul3A_554 = arith.constant 8 : i32
      %mul3A_555 = arith.muli %add3A_539, %mul3A_554 : i32
      %add3A_556 = arith.addi %mul3A_2, %mul3A_555 : i32
      %dma_start3A_557 = arith.constant 0 : i32
      %dma_start3A_558 = arith.constant 0 : i32
      %dma_start3A_559 = arith.constant 0 : i32
      %dma_start3A_560 = arith.constant 0 : i32
      %dma_start3A_561 = tpu.memref_slice %arg6[%dma_start3A_557, %dma_start3A_559, %dma_start3A_560] : memref<4x8x2048xf32, #tpu.memory_space<vmem>> -> memref<1x8x2048xf32, #tpu.memory_space<vmem>>
      %dma_start3A_562 = tpu.memref_squeeze %dma_start3A_561 : memref<1x8x2048xf32, #tpu.memory_space<vmem>> -> memref<8x2048xf32, #tpu.memory_space<vmem>>
      %dma_start3A_563 = arith.constant 0 : i32
      %dma_start3A_564 = tpu.memref_slice %arg4[%add3A_556, %dma_start3A_563] : memref<16384x2048xf32, #tpu.memory_space<hbm>> -> memref<8x2048xf32, #tpu.memory_space<hbm>>
      %dma_start3A_565 = tpu.memref_slice %arg8[%dma_start3A_558] : memref<4x!tpu.dma_semaphore, #tpu.memory_space<semaphore_mem>> -> memref<1x!tpu.dma_semaphore, #tpu.memory_space<semaphore_mem>>
      %dma_start3A_566 = tpu.memref_squeeze %dma_start3A_565 : memref<1x!tpu.dma_semaphore, #tpu.memory_space<semaphore_mem>> -> memref<!tpu.dma_semaphore, #tpu.memory_space<semaphore_mem>>
      %dma_start3A_567 = arith.constant 0 : i32
      %dma_start3A_568 = tpu.memref_slice %arg4[%add3A_556, %dma_start3A_567] : memref<16384x2048xf32, #tpu.memory_space<hbm>> -> memref<8x2048xf32, #tpu.memory_space<hbm>>
      %dma_start3A_569 = arith.constant 0 : i32
      %dma_start3A_570 = arith.constant 0 : i32
      %dma_start3A_571 = tpu.memref_slice %arg6[%dma_start3A_557, %dma_start3A_569, %dma_start3A_570] : memref<4x8x2048xf32, #tpu.memory_space<vmem>> -> memref<1x8x2048xf32, #tpu.memory_space<vmem>>
      %dma_start3A_572 = tpu.memref_squeeze %dma_start3A_571 : memref<1x8x2048xf32, #tpu.memory_space<vmem>> -> memref<8x2048xf32, #tpu.memory_space<vmem>>
      tpu.enqueue_dma source(%dma_start3A_572 : memref<8x2048xf32, #tpu.memory_space<vmem>>) target(%dma_start3A_568 : memref<8x2048xf32, #tpu.memory_space<hbm>>) target_semaphore(%dma_start3A_566 : memref<!tpu.dma_semaphore, #tpu.memory_space<semaphore_mem>>)
      %add3A_573 = arith.constant 2 : i32
      %add3A_574 = arith.addi %add3A_539, %add3A_573 : i32
      %sub3A_575 = arith.constant 4 : i32
      %sub3A_576 = arith.subi %add3A_574, %sub3A_575 : i32
      %mul3A_577 = arith.constant 8 : i32
      %mul3A_578 = arith.muli %sub3A_576, %mul3A_577 : i32
      %add3A_579 = arith.addi %mul3A_2, %mul3A_578 : i32
      %dma_wait3A_580 = arith.constant 2 : i32
      %dma_wait3A_581 = arith.constant 2 : i32
      %dma_wait3A_582 = arith.constant 0 : i32
      %dma_wait3A_583 = arith.constant 0 : i32
      %dma_wait3A_584 = tpu.memref_slice %arg6[%dma_wait3A_580, %dma_wait3A_582, %dma_wait3A_583] : memref<4x8x2048xf32, #tpu.memory_space<vmem>> -> memref<1x8x2048xf32, #tpu.memory_space<vmem>>
      %dma_wait3A_585 = tpu.memref_squeeze %dma_wait3A_584 : memref<1x8x2048xf32, #tpu.memory_space<vmem>> -> memref<8x2048xf32, #tpu.memory_space<vmem>>
      %dma_wait3A_586 = arith.constant 0 : i32
      %dma_wait3A_587 = tpu.memref_slice %arg4[%add3A_579, %dma_wait3A_586] : memref<16384x2048xf32, #tpu.memory_space<hbm>> -> memref<8x2048xf32, #tpu.memory_space<hbm>>
      %dma_wait3A_588 = tpu.memref_slice %arg8[%dma_wait3A_581] : memref<4x!tpu.dma_semaphore, #tpu.memory_space<semaphore_mem>> -> memref<1x!tpu.dma_semaphore, #tpu.memory_space<semaphore_mem>>
      %dma_wait3A_589 = tpu.memref_squeeze %dma_wait3A_588 : memref<1x!tpu.dma_semaphore, #tpu.memory_space<semaphore_mem>> -> memref<!tpu.dma_semaphore, #tpu.memory_space<semaphore_mem>>
      %dma_wait3A_590 = arith.constant 0 : i32
      %dma_wait3A_591 = tpu.memref_slice %arg4[%add3A_579, %dma_wait3A_590] : memref<16384x2048xf32, #tpu.memory_space<hbm>> -> memref<8x2048xf32, #tpu.memory_space<hbm>>
      %dma_wait3A_592 = arith.constant 0 : i32
      %dma_wait3A_593 = arith.constant 0 : i32
      %dma_wait3A_594 = tpu.memref_slice %arg6[%dma_wait3A_580, %dma_wait3A_592, %dma_wait3A_593] : memref<4x8x2048xf32, #tpu.memory_space<vmem>> -> memref<1x8x2048xf32, #tpu.memory_space<vmem>>
      %dma_wait3A_595 = tpu.memref_squeeze %dma_wait3A_594 : memref<1x8x2048xf32, #tpu.memory_space<vmem>> -> memref<8x2048xf32, #tpu.memory_space<vmem>>
      tpu.wait_dma2 semaphore(%dma_wait3A_589 : memref<!tpu.dma_semaphore, #tpu.memory_space<semaphore_mem>>) src(%dma_wait3A_595 : memref<8x2048xf32, #tpu.memory_space<vmem>>) dst(%dma_wait3A_591 : memref<8x2048xf32, #tpu.memory_space<hbm>>)
      %add3A_596 = arith.constant 2 : i32
      %add3A_597 = arith.addi %add3A_539, %add3A_596 : i32
      %mul3A_598 = arith.constant 8 : i32
      %mul3A_599 = arith.muli %add3A_597, %mul3A_598 : i32
      %dma_start3A_600 = arith.constant 2 : i32
      %dma_start3A_601 = arith.constant 2 : i32
      %dma_start3A_602 = arith.constant 0 : i32
      %dma_start3A_603 = arith.constant 0 : i32
      %dma_start3A_604 = tpu.memref_slice %arg6[%dma_start3A_600, %dma_start3A_602, %dma_start3A_603] : memref<4x8x2048xf32, #tpu.memory_space<vmem>> -> memref<1x8x2048xf32, #tpu.memory_space<vmem>>
      %dma_start3A_605 = tpu.memref_squeeze %dma_start3A_604 : memref<1x8x2048xf32, #tpu.memory_space<vmem>> -> memref<8x2048xf32, #tpu.memory_space<vmem>>
      %dma_start3A_606 = tpu.memref_slice %arg5[%mul3A_599] : memref<512xi32, #tpu.memory_space<vmem>> -> memref<8xi32, #tpu.memory_space<vmem>>
      %dma_start3A_607 = arith.constant 0 : i32
      %dma_start3A_608 = arith.constant 0 : i32
      %dma_start3A_609 = tpu.memref_slice %arg3[%dma_start3A_607, %dma_start3A_608] : memref<100000x2048xf32, #tpu.memory_space<hbm>> -> memref<100000x2048xf32, #tpu.memory_space<hbm>>
      %dma_start3A_610 = tpu.memref_slice %arg7[%dma_start3A_601] : memref<4x!tpu.dma_semaphore, #tpu.memory_space<semaphore_mem>> -> memref<1x!tpu.dma_semaphore, #tpu.memory_space<semaphore_mem>>
      %dma_start3A_611 = tpu.memref_squeeze %dma_start3A_610 : memref<1x!tpu.dma_semaphore, #tpu.memory_space<semaphore_mem>> -> memref<!tpu.dma_semaphore, #tpu.memory_space<semaphore_mem>>
      tpu.enqueue_indirect_dma source(%dma_start3A_609 : memref<100000x2048xf32, #tpu.memory_space<hbm>>) target(%dma_start3A_605 : memref<8x2048xf32, #tpu.memory_space<vmem>>) offsets(%dma_start3A_606 : memref<8xi32, #tpu.memory_space<vmem>>) semaphore(%dma_start3A_611 : memref<!tpu.dma_semaphore, #tpu.memory_space<semaphore_mem>>)
      %add3A_612 = arith.constant 1 : i32
      %add3A_613 = arith.addi %add3A_537, %add3A_612 : i32
      %mul3A_614 = arith.constant 8 : i32
      %mul3A_615 = arith.muli %add3A_613, %mul3A_614 : i32
      %dma_wait3A_616 = arith.constant 1 : i32
      %dma_wait3A_617 = arith.constant 1 : i32
      %dma_wait3A_618 = arith.constant 0 : i32
      %dma_wait3A_619 = arith.constant 0 : i32
      %dma_wait3A_620 = tpu.memref_slice %arg6[%dma_wait3A_616, %dma_wait3A_618, %dma_wait3A_619] : memref<4x8x2048xf32, #tpu.memory_space<vmem>> -> memref<1x8x2048xf32, #tpu.memory_space<vmem>>
      %dma_wait3A_621 = tpu.memref_squeeze %dma_wait3A_620 : memref<1x8x2048xf32, #tpu.memory_space<vmem>> -> memref<8x2048xf32, #tpu.memory_space<vmem>>
      %dma_wait3A_622 = tpu.memref_slice %arg5[%mul3A_615] : memref<512xi32, #tpu.memory_space<vmem>> -> memref<8xi32, #tpu.memory_space<vmem>>
      %dma_wait3A_623 = arith.constant 0 : i32
      %dma_wait3A_624 = arith.constant 0 : i32
      %dma_wait3A_625 = tpu.memref_slice %arg3[%dma_wait3A_623, %dma_wait3A_624] : memref<100000x2048xf32, #tpu.memory_space<hbm>> -> memref<100000x2048xf32, #tpu.memory_space<hbm>>
      %dma_wait3A_626 = tpu.memref_slice %arg7[%dma_wait3A_617] : memref<4x!tpu.dma_semaphore, #tpu.memory_space<semaphore_mem>> -> memref<1x!tpu.dma_semaphore, #tpu.memory_space<semaphore_mem>>
      %dma_wait3A_627 = tpu.memref_squeeze %dma_wait3A_626 : memref<1x!tpu.dma_semaphore, #tpu.memory_space<semaphore_mem>> -> memref<!tpu.dma_semaphore, #tpu.memory_space<semaphore_mem>>
      tpu.wait_indirect_dma semaphore(%dma_wait3A_627 : memref<!tpu.dma_semaphore, #tpu.memory_space<semaphore_mem>>) src(%dma_wait3A_625 : memref<100000x2048xf32, #tpu.memory_space<hbm>>) dst(%dma_wait3A_621 : memref<8x2048xf32, #tpu.memory_space<vmem>>)
      %mul3A_628 = arith.constant 8 : i32
      %mul3A_629 = arith.muli %add3A_613, %mul3A_628 : i32
      %add3A_630 = arith.addi %mul3A_2, %mul3A_629 : i32
      %dma_start3A_631 = arith.constant 1 : i32
      %dma_start3A_632 = arith.constant 1 : i32
      %dma_start3A_633 = arith.constant 0 : i32
      %dma_start3A_634 = arith.constant 0 : i32
      %dma_start3A_635 = tpu.memref_slice %arg6[%dma_start3A_631, %dma_start3A_633, %dma_start3A_634] : memref<4x8x2048xf32, #tpu.memory_space<vmem>> -> memref<1x8x2048xf32, #tpu.memory_space<vmem>>
      %dma_start3A_636 = tpu.memref_squeeze %dma_start3A_635 : memref<1x8x2048xf32, #tpu.memory_space<vmem>> -> memref<8x2048xf32, #tpu.memory_space<vmem>>
      %dma_start3A_637 = arith.constant 0 : i32
      %dma_start3A_638 = tpu.memref_slice %arg4[%add3A_630, %dma_start3A_637] : memref<16384x2048xf32, #tpu.memory_space<hbm>> -> memref<8x2048xf32, #tpu.memory_space<hbm>>
      %dma_start3A_639 = tpu.memref_slice %arg8[%dma_start3A_632] : memref<4x!tpu.dma_semaphore, #tpu.memory_space<semaphore_mem>> -> memref<1x!tpu.dma_semaphore, #tpu.memory_space<semaphore_mem>>
      %dma_start3A_640 = tpu.memref_squeeze %dma_start3A_639 : memref<1x!tpu.dma_semaphore, #tpu.memory_space<semaphore_mem>> -> memref<!tpu.dma_semaphore, #tpu.memory_space<semaphore_mem>>
      %dma_start3A_641 = arith.constant 0 : i32
      %dma_start3A_642 = tpu.memref_slice %arg4[%add3A_630, %dma_start3A_641] : memref<16384x2048xf32, #tpu.memory_space<hbm>> -> memref<8x2048xf32, #tpu.memory_space<hbm>>
      %dma_start3A_643 = arith.constant 0 : i32
      %dma_start3A_644 = arith.constant 0 : i32
      %dma_start3A_645 = tpu.memref_slice %arg6[%dma_start3A_631, %dma_start3A_643, %dma_start3A_644] : memref<4x8x2048xf32, #tpu.memory_space<vmem>> -> memref<1x8x2048xf32, #tpu.memory_space<vmem>>
      %dma_start3A_646 = tpu.memref_squeeze %dma_start3A_645 : memref<1x8x2048xf32, #tpu.memory_space<vmem>> -> memref<8x2048xf32, #tpu.memory_space<vmem>>
      tpu.enqueue_dma source(%dma_start3A_646 : memref<8x2048xf32, #tpu.memory_space<vmem>>) target(%dma_start3A_642 : memref<8x2048xf32, #tpu.memory_space<hbm>>) target_semaphore(%dma_start3A_640 : memref<!tpu.dma_semaphore, #tpu.memory_space<semaphore_mem>>)
      %add3A_647 = arith.constant 2 : i32
      %add3A_648 = arith.addi %add3A_613, %add3A_647 : i32
      %sub3A_649 = arith.constant 4 : i32
      %sub3A_650 = arith.subi %add3A_648, %sub3A_649 : i32
      %mul3A_651 = arith.constant 8 : i32
      %mul3A_652 = arith.muli %sub3A_650, %mul3A_651 : i32
      %add3A_653 = arith.addi %mul3A_2, %mul3A_652 : i32
      %dma_wait3A_654 = arith.constant 3 : i32
      %dma_wait3A_655 = arith.constant 3 : i32
      %dma_wait3A_656 = arith.constant 0 : i32
      %dma_wait3A_657 = arith.constant 0 : i32
      %dma_wait3A_658 = tpu.memref_slice %arg6[%dma_wait3A_654, %dma_wait3A_656, %dma_wait3A_657] : memref<4x8x2048xf32, #tpu.memory_space<vmem>> -> memref<1x8x2048xf32, #tpu.memory_space<vmem>>
      %dma_wait3A_659 = tpu.memref_squeeze %dma_wait3A_658 : memref<1x8x2048xf32, #tpu.memory_space<vmem>> -> memref<8x2048xf32, #tpu.memory_space<vmem>>
      %dma_wait3A_660 = arith.constant 0 : i32
      %dma_wait3A_661 = tpu.memref_slice %arg4[%add3A_653, %dma_wait3A_660] : memref<16384x2048xf32, #tpu.memory_space<hbm>> -> memref<8x2048xf32, #tpu.memory_space<hbm>>
      %dma_wait3A_662 = tpu.memref_slice %arg8[%dma_wait3A_655] : memref<4x!tpu.dma_semaphore, #tpu.memory_space<semaphore_mem>> -> memref<1x!tpu.dma_semaphore, #tpu.memory_space<semaphore_mem>>
      %dma_wait3A_663 = tpu.memref_squeeze %dma_wait3A_662 : memref<1x!tpu.dma_semaphore, #tpu.memory_space<semaphore_mem>> -> memref<!tpu.dma_semaphore, #tpu.memory_space<semaphore_mem>>
      %dma_wait3A_664 = arith.constant 0 : i32
      %dma_wait3A_665 = tpu.memref_slice %arg4[%add3A_653, %dma_wait3A_664] : memref<16384x2048xf32, #tpu.memory_space<hbm>> -> memref<8x2048xf32, #tpu.memory_space<hbm>>
      %dma_wait3A_666 = arith.constant 0 : i32
      %dma_wait3A_667 = arith.constant 0 : i32
      %dma_wait3A_668 = tpu.memref_slice %arg6[%dma_wait3A_654, %dma_wait3A_666, %dma_wait3A_667] : memref<4x8x2048xf32, #tpu.memory_space<vmem>> -> memref<1x8x2048xf32, #tpu.memory_space<vmem>>
      %dma_wait3A_669 = tpu.memref_squeeze %dma_wait3A_668 : memref<1x8x2048xf32, #tpu.memory_space<vmem>> -> memref<8x2048xf32, #tpu.memory_space<vmem>>
      tpu.wait_dma2 semaphore(%dma_wait3A_663 : memref<!tpu.dma_semaphore, #tpu.memory_space<semaphore_mem>>) src(%dma_wait3A_669 : memref<8x2048xf32, #tpu.memory_space<vmem>>) dst(%dma_wait3A_665 : memref<8x2048xf32, #tpu.memory_space<hbm>>)
      %add3A_670 = arith.constant 2 : i32
      %add3A_671 = arith.addi %add3A_613, %add3A_670 : i32
      %mul3A_672 = arith.constant 8 : i32
      %mul3A_673 = arith.muli %add3A_671, %mul3A_672 : i32
      %dma_start3A_674 = arith.constant 3 : i32
      %dma_start3A_675 = arith.constant 3 : i32
      %dma_start3A_676 = arith.constant 0 : i32
      %dma_start3A_677 = arith.constant 0 : i32
      %dma_start3A_678 = tpu.memref_slice %arg6[%dma_start3A_674, %dma_start3A_676, %dma_start3A_677] : memref<4x8x2048xf32, #tpu.memory_space<vmem>> -> memref<1x8x2048xf32, #tpu.memory_space<vmem>>
      %dma_start3A_679 = tpu.memref_squeeze %dma_start3A_678 : memref<1x8x2048xf32, #tpu.memory_space<vmem>> -> memref<8x2048xf32, #tpu.memory_space<vmem>>
      %dma_start3A_680 = tpu.memref_slice %arg5[%mul3A_673] : memref<512xi32, #tpu.memory_space<vmem>> -> memref<8xi32, #tpu.memory_space<vmem>>
      %dma_start3A_681 = arith.constant 0 : i32
      %dma_start3A_682 = arith.constant 0 : i32
      %dma_start3A_683 = tpu.memref_slice %arg3[%dma_start3A_681, %dma_start3A_682] : memref<100000x2048xf32, #tpu.memory_space<hbm>> -> memref<100000x2048xf32, #tpu.memory_space<hbm>>
      %dma_start3A_684 = tpu.memref_slice %arg7[%dma_start3A_675] : memref<4x!tpu.dma_semaphore, #tpu.memory_space<semaphore_mem>> -> memref<1x!tpu.dma_semaphore, #tpu.memory_space<semaphore_mem>>
      %dma_start3A_685 = tpu.memref_squeeze %dma_start3A_684 : memref<1x!tpu.dma_semaphore, #tpu.memory_space<semaphore_mem>> -> memref<!tpu.dma_semaphore, #tpu.memory_space<semaphore_mem>>
      tpu.enqueue_indirect_dma source(%dma_start3A_683 : memref<100000x2048xf32, #tpu.memory_space<hbm>>) target(%dma_start3A_679 : memref<8x2048xf32, #tpu.memory_space<vmem>>) offsets(%dma_start3A_680 : memref<8xi32, #tpu.memory_space<vmem>>) semaphore(%dma_start3A_685 : memref<!tpu.dma_semaphore, #tpu.memory_space<semaphore_mem>>)
      %add3A_686 = arith.constant 2 : i32
      %add3A_687 = arith.addi %add3A_537, %add3A_686 : i32
      %mul3A_688 = arith.constant 8 : i32
      %mul3A_689 = arith.muli %add3A_687, %mul3A_688 : i32
      %dma_wait3A_690 = arith.constant 2 : i32
      %dma_wait3A_691 = arith.constant 2 : i32
      %dma_wait3A_692 = arith.constant 0 : i32
      %dma_wait3A_693 = arith.constant 0 : i32
      %dma_wait3A_694 = tpu.memref_slice %arg6[%dma_wait3A_690, %dma_wait3A_692, %dma_wait3A_693] : memref<4x8x2048xf32, #tpu.memory_space<vmem>> -> memref<1x8x2048xf32, #tpu.memory_space<vmem>>
      %dma_wait3A_695 = tpu.memref_squeeze %dma_wait3A_694 : memref<1x8x2048xf32, #tpu.memory_space<vmem>> -> memref<8x2048xf32, #tpu.memory_space<vmem>>
      %dma_wait3A_696 = tpu.memref_slice %arg5[%mul3A_689] : memref<512xi32, #tpu.memory_space<vmem>> -> memref<8xi32, #tpu.memory_space<vmem>>
      %dma_wait3A_697 = arith.constant 0 : i32
      %dma_wait3A_698 = arith.constant 0 : i32
      %dma_wait3A_699 = tpu.memref_slice %arg3[%dma_wait3A_697, %dma_wait3A_698] : memref<100000x2048xf32, #tpu.memory_space<hbm>> -> memref<100000x2048xf32, #tpu.memory_space<hbm>>
      %dma_wait3A_700 = tpu.memref_slice %arg7[%dma_wait3A_691] : memref<4x!tpu.dma_semaphore, #tpu.memory_space<semaphore_mem>> -> memref<1x!tpu.dma_semaphore, #tpu.memory_space<semaphore_mem>>
      %dma_wait3A_701 = tpu.memref_squeeze %dma_wait3A_700 : memref<1x!tpu.dma_semaphore, #tpu.memory_space<semaphore_mem>> -> memref<!tpu.dma_semaphore, #tpu.memory_space<semaphore_mem>>
      tpu.wait_indirect_dma semaphore(%dma_wait3A_701 : memref<!tpu.dma_semaphore, #tpu.memory_space<semaphore_mem>>) src(%dma_wait3A_699 : memref<100000x2048xf32, #tpu.memory_space<hbm>>) dst(%dma_wait3A_695 : memref<8x2048xf32, #tpu.memory_space<vmem>>)
      %mul3A_702 = arith.constant 8 : i32
      %mul3A_703 = arith.muli %add3A_687, %mul3A_702 : i32
      %add3A_704 = arith.addi %mul3A_2, %mul3A_703 : i32
      %dma_start3A_705 = arith.constant 2 : i32
      %dma_start3A_706 = arith.constant 2 : i32
      %dma_start3A_707 = arith.constant 0 : i32
      %dma_start3A_708 = arith.constant 0 : i32
      %dma_start3A_709 = tpu.memref_slice %arg6[%dma_start3A_705, %dma_start3A_707, %dma_start3A_708] : memref<4x8x2048xf32, #tpu.memory_space<vmem>> -> memref<1x8x2048xf32, #tpu.memory_space<vmem>>
      %dma_start3A_710 = tpu.memref_squeeze %dma_start3A_709 : memref<1x8x2048xf32, #tpu.memory_space<vmem>> -> memref<8x2048xf32, #tpu.memory_space<vmem>>
      %dma_start3A_711 = arith.constant 0 : i32
      %dma_start3A_712 = tpu.memref_slice %arg4[%add3A_704, %dma_start3A_711] : memref<16384x2048xf32, #tpu.memory_space<hbm>> -> memref<8x2048xf32, #tpu.memory_space<hbm>>
      %dma_start3A_713 = tpu.memref_slice %arg8[%dma_start3A_706] : memref<4x!tpu.dma_semaphore, #tpu.memory_space<semaphore_mem>> -> memref<1x!tpu.dma_semaphore, #tpu.memory_space<semaphore_mem>>
      %dma_start3A_714 = tpu.memref_squeeze %dma_start3A_713 : memref<1x!tpu.dma_semaphore, #tpu.memory_space<semaphore_mem>> -> memref<!tpu.dma_semaphore, #tpu.memory_space<semaphore_mem>>
      %dma_start3A_715 = arith.constant 0 : i32
      %dma_start3A_716 = tpu.memref_slice %arg4[%add3A_704, %dma_start3A_715] : memref<16384x2048xf32, #tpu.memory_space<hbm>> -> memref<8x2048xf32, #tpu.memory_space<hbm>>
      %dma_start3A_717 = arith.constant 0 : i32
      %dma_start3A_718 = arith.constant 0 : i32
      %dma_start3A_719 = tpu.memref_slice %arg6[%dma_start3A_705, %dma_start3A_717, %dma_start3A_718] : memref<4x8x2048xf32, #tpu.memory_space<vmem>> -> memref<1x8x2048xf32, #tpu.memory_space<vmem>>
      %dma_start3A_720 = tpu.memref_squeeze %dma_start3A_719 : memref<1x8x2048xf32, #tpu.memory_space<vmem>> -> memref<8x2048xf32, #tpu.memory_space<vmem>>
      tpu.enqueue_dma source(%dma_start3A_720 : memref<8x2048xf32, #tpu.memory_space<vmem>>) target(%dma_start3A_716 : memref<8x2048xf32, #tpu.memory_space<hbm>>) target_semaphore(%dma_start3A_714 : memref<!tpu.dma_semaphore, #tpu.memory_space<semaphore_mem>>)
      %add3A_721 = arith.constant 2 : i32
      %add3A_722 = arith.addi %add3A_687, %add3A_721 : i32
      %sub3A_723 = arith.constant 4 : i32
      %sub3A_724 = arith.subi %add3A_722, %sub3A_723 : i32
      %mul3A_725 = arith.constant 8 : i32
      %mul3A_726 = arith.muli %sub3A_724, %mul3A_725 : i32
      %add3A_727 = arith.addi %mul3A_2, %mul3A_726 : i32
      %dma_wait3A_728 = arith.constant 0 : i32
      %dma_wait3A_729 = arith.constant 0 : i32
      %dma_wait3A_730 = arith.constant 0 : i32
      %dma_wait3A_731 = arith.constant 0 : i32
      %dma_wait3A_732 = tpu.memref_slice %arg6[%dma_wait3A_728, %dma_wait3A_730, %dma_wait3A_731] : memref<4x8x2048xf32, #tpu.memory_space<vmem>> -> memref<1x8x2048xf32, #tpu.memory_space<vmem>>
      %dma_wait3A_733 = tpu.memref_squeeze %dma_wait3A_732 : memref<1x8x2048xf32, #tpu.memory_space<vmem>> -> memref<8x2048xf32, #tpu.memory_space<vmem>>
      %dma_wait3A_734 = arith.constant 0 : i32
      %dma_wait3A_735 = tpu.memref_slice %arg4[%add3A_727, %dma_wait3A_734] : memref<16384x2048xf32, #tpu.memory_space<hbm>> -> memref<8x2048xf32, #tpu.memory_space<hbm>>
      %dma_wait3A_736 = tpu.memref_slice %arg8[%dma_wait3A_729] : memref<4x!tpu.dma_semaphore, #tpu.memory_space<semaphore_mem>> -> memref<1x!tpu.dma_semaphore, #tpu.memory_space<semaphore_mem>>
      %dma_wait3A_737 = tpu.memref_squeeze %dma_wait3A_736 : memref<1x!tpu.dma_semaphore, #tpu.memory_space<semaphore_mem>> -> memref<!tpu.dma_semaphore, #tpu.memory_space<semaphore_mem>>
      %dma_wait3A_738 = arith.constant 0 : i32
      %dma_wait3A_739 = tpu.memref_slice %arg4[%add3A_727, %dma_wait3A_738] : memref<16384x2048xf32, #tpu.memory_space<hbm>> -> memref<8x2048xf32, #tpu.memory_space<hbm>>
      %dma_wait3A_740 = arith.constant 0 : i32
      %dma_wait3A_741 = arith.constant 0 : i32
      %dma_wait3A_742 = tpu.memref_slice %arg6[%dma_wait3A_728, %dma_wait3A_740, %dma_wait3A_741] : memref<4x8x2048xf32, #tpu.memory_space<vmem>> -> memref<1x8x2048xf32, #tpu.memory_space<vmem>>
      %dma_wait3A_743 = tpu.memref_squeeze %dma_wait3A_742 : memref<1x8x2048xf32, #tpu.memory_space<vmem>> -> memref<8x2048xf32, #tpu.memory_space<vmem>>
      tpu.wait_dma2 semaphore(%dma_wait3A_737 : memref<!tpu.dma_semaphore, #tpu.memory_space<semaphore_mem>>) src(%dma_wait3A_743 : memref<8x2048xf32, #tpu.memory_space<vmem>>) dst(%dma_wait3A_739 : memref<8x2048xf32, #tpu.memory_space<hbm>>)
      %add3A_744 = arith.constant 2 : i32
      %add3A_745 = arith.addi %add3A_687, %add3A_744 : i32
      %mul3A_746 = arith.constant 8 : i32
      %mul3A_747 = arith.muli %add3A_745, %mul3A_746 : i32
      %dma_start3A_748 = arith.constant 0 : i32
      %dma_start3A_749 = arith.constant 0 : i32
      %dma_start3A_750 = arith.constant 0 : i32
      %dma_start3A_751 = arith.constant 0 : i32
      %dma_start3A_752 = tpu.memref_slice %arg6[%dma_start3A_748, %dma_start3A_750, %dma_start3A_751] : memref<4x8x2048xf32, #tpu.memory_space<vmem>> -> memref<1x8x2048xf32, #tpu.memory_space<vmem>>
      %dma_start3A_753 = tpu.memref_squeeze %dma_start3A_752 : memref<1x8x2048xf32, #tpu.memory_space<vmem>> -> memref<8x2048xf32, #tpu.memory_space<vmem>>
      %dma_start3A_754 = tpu.memref_slice %arg5[%mul3A_747] : memref<512xi32, #tpu.memory_space<vmem>> -> memref<8xi32, #tpu.memory_space<vmem>>
      %dma_start3A_755 = arith.constant 0 : i32
      %dma_start3A_756 = arith.constant 0 : i32
      %dma_start3A_757 = tpu.memref_slice %arg3[%dma_start3A_755, %dma_start3A_756] : memref<100000x2048xf32, #tpu.memory_space<hbm>> -> memref<100000x2048xf32, #tpu.memory_space<hbm>>
      %dma_start3A_758 = tpu.memref_slice %arg7[%dma_start3A_749] : memref<4x!tpu.dma_semaphore, #tpu.memory_space<semaphore_mem>> -> memref<1x!tpu.dma_semaphore, #tpu.memory_space<semaphore_mem>>
      %dma_start3A_759 = tpu.memref_squeeze %dma_start3A_758 : memref<1x!tpu.dma_semaphore, #tpu.memory_space<semaphore_mem>> -> memref<!tpu.dma_semaphore, #tpu.memory_space<semaphore_mem>>
      tpu.enqueue_indirect_dma source(%dma_start3A_757 : memref<100000x2048xf32, #tpu.memory_space<hbm>>) target(%dma_start3A_753 : memref<8x2048xf32, #tpu.memory_space<vmem>>) offsets(%dma_start3A_754 : memref<8xi32, #tpu.memory_space<vmem>>) semaphore(%dma_start3A_759 : memref<!tpu.dma_semaphore, #tpu.memory_space<semaphore_mem>>)
      %add3A_760 = arith.constant 3 : i32
      %add3A_761 = arith.addi %add3A_537, %add3A_760 : i32
      %mul3A_762 = arith.constant 8 : i32
      %mul3A_763 = arith.muli %add3A_761, %mul3A_762 : i32
      %dma_wait3A_764 = arith.constant 3 : i32
      %dma_wait3A_765 = arith.constant 3 : i32
      %dma_wait3A_766 = arith.constant 0 : i32
      %dma_wait3A_767 = arith.constant 0 : i32
      %dma_wait3A_768 = tpu.memref_slice %arg6[%dma_wait3A_764, %dma_wait3A_766, %dma_wait3A_767] : memref<4x8x2048xf32, #tpu.memory_space<vmem>> -> memref<1x8x2048xf32, #tpu.memory_space<vmem>>
      %dma_wait3A_769 = tpu.memref_squeeze %dma_wait3A_768 : memref<1x8x2048xf32, #tpu.memory_space<vmem>> -> memref<8x2048xf32, #tpu.memory_space<vmem>>
      %dma_wait3A_770 = tpu.memref_slice %arg5[%mul3A_763] : memref<512xi32, #tpu.memory_space<vmem>> -> memref<8xi32, #tpu.memory_space<vmem>>
      %dma_wait3A_771 = arith.constant 0 : i32
      %dma_wait3A_772 = arith.constant 0 : i32
      %dma_wait3A_773 = tpu.memref_slice %arg3[%dma_wait3A_771, %dma_wait3A_772] : memref<100000x2048xf32, #tpu.memory_space<hbm>> -> memref<100000x2048xf32, #tpu.memory_space<hbm>>
      %dma_wait3A_774 = tpu.memref_slice %arg7[%dma_wait3A_765] : memref<4x!tpu.dma_semaphore, #tpu.memory_space<semaphore_mem>> -> memref<1x!tpu.dma_semaphore, #tpu.memory_space<semaphore_mem>>
      %dma_wait3A_775 = tpu.memref_squeeze %dma_wait3A_774 : memref<1x!tpu.dma_semaphore, #tpu.memory_space<semaphore_mem>> -> memref<!tpu.dma_semaphore, #tpu.memory_space<semaphore_mem>>
      tpu.wait_indirect_dma semaphore(%dma_wait3A_775 : memref<!tpu.dma_semaphore, #tpu.memory_space<semaphore_mem>>) src(%dma_wait3A_773 : memref<100000x2048xf32, #tpu.memory_space<hbm>>) dst(%dma_wait3A_769 : memref<8x2048xf32, #tpu.memory_space<vmem>>)
      %mul3A_776 = arith.constant 8 : i32
      %mul3A_777 = arith.muli %add3A_761, %mul3A_776 : i32
      %add3A_778 = arith.addi %mul3A_2, %mul3A_777 : i32
      %dma_start3A_779 = arith.constant 3 : i32
      %dma_start3A_780 = arith.constant 3 : i32
      %dma_start3A_781 = arith.constant 0 : i32
      %dma_start3A_782 = arith.constant 0 : i32
      %dma_start3A_783 = tpu.memref_slice %arg6[%dma_start3A_779, %dma_start3A_781, %dma_start3A_782] : memref<4x8x2048xf32, #tpu.memory_space<vmem>> -> memref<1x8x2048xf32, #tpu.memory_space<vmem>>
      %dma_start3A_784 = tpu.memref_squeeze %dma_start3A_783 : memref<1x8x2048xf32, #tpu.memory_space<vmem>> -> memref<8x2048xf32, #tpu.memory_space<vmem>>
      %dma_start3A_785 = arith.constant 0 : i32
      %dma_start3A_786 = tpu.memref_slice %arg4[%add3A_778, %dma_start3A_785] : memref<16384x2048xf32, #tpu.memory_space<hbm>> -> memref<8x2048xf32, #tpu.memory_space<hbm>>
      %dma_start3A_787 = tpu.memref_slice %arg8[%dma_start3A_780] : memref<4x!tpu.dma_semaphore, #tpu.memory_space<semaphore_mem>> -> memref<1x!tpu.dma_semaphore, #tpu.memory_space<semaphore_mem>>
      %dma_start3A_788 = tpu.memref_squeeze %dma_start3A_787 : memref<1x!tpu.dma_semaphore, #tpu.memory_space<semaphore_mem>> -> memref<!tpu.dma_semaphore, #tpu.memory_space<semaphore_mem>>
      %dma_start3A_789 = arith.constant 0 : i32
      %dma_start3A_790 = tpu.memref_slice %arg4[%add3A_778, %dma_start3A_789] : memref<16384x2048xf32, #tpu.memory_space<hbm>> -> memref<8x2048xf32, #tpu.memory_space<hbm>>
      %dma_start3A_791 = arith.constant 0 : i32
      %dma_start3A_792 = arith.constant 0 : i32
      %dma_start3A_793 = tpu.memref_slice %arg6[%dma_start3A_779, %dma_start3A_791, %dma_start3A_792] : memref<4x8x2048xf32, #tpu.memory_space<vmem>> -> memref<1x8x2048xf32, #tpu.memory_space<vmem>>
      %dma_start3A_794 = tpu.memref_squeeze %dma_start3A_793 : memref<1x8x2048xf32, #tpu.memory_space<vmem>> -> memref<8x2048xf32, #tpu.memory_space<vmem>>
      tpu.enqueue_dma source(%dma_start3A_794 : memref<8x2048xf32, #tpu.memory_space<vmem>>) target(%dma_start3A_790 : memref<8x2048xf32, #tpu.memory_space<hbm>>) target_semaphore(%dma_start3A_788 : memref<!tpu.dma_semaphore, #tpu.memory_space<semaphore_mem>>)
      %add3A_795 = arith.constant 2 : i32
      %add3A_796 = arith.addi %add3A_761, %add3A_795 : i32
      %sub3A_797 = arith.constant 4 : i32
      %sub3A_798 = arith.subi %add3A_796, %sub3A_797 : i32
      %mul3A_799 = arith.constant 8 : i32
      %mul3A_800 = arith.muli %sub3A_798, %mul3A_799 : i32
      %add3A_801 = arith.addi %mul3A_2, %mul3A_800 : i32
      %dma_wait3A_802 = arith.constant 1 : i32
      %dma_wait3A_803 = arith.constant 1 : i32
      %dma_wait3A_804 = arith.constant 0 : i32
      %dma_wait3A_805 = arith.constant 0 : i32
      %dma_wait3A_806 = tpu.memref_slice %arg6[%dma_wait3A_802, %dma_wait3A_804, %dma_wait3A_805] : memref<4x8x2048xf32, #tpu.memory_space<vmem>> -> memref<1x8x2048xf32, #tpu.memory_space<vmem>>
      %dma_wait3A_807 = tpu.memref_squeeze %dma_wait3A_806 : memref<1x8x2048xf32, #tpu.memory_space<vmem>> -> memref<8x2048xf32, #tpu.memory_space<vmem>>
      %dma_wait3A_808 = arith.constant 0 : i32
      %dma_wait3A_809 = tpu.memref_slice %arg4[%add3A_801, %dma_wait3A_808] : memref<16384x2048xf32, #tpu.memory_space<hbm>> -> memref<8x2048xf32, #tpu.memory_space<hbm>>
      %dma_wait3A_810 = tpu.memref_slice %arg8[%dma_wait3A_803] : memref<4x!tpu.dma_semaphore, #tpu.memory_space<semaphore_mem>> -> memref<1x!tpu.dma_semaphore, #tpu.memory_space<semaphore_mem>>
      %dma_wait3A_811 = tpu.memref_squeeze %dma_wait3A_810 : memref<1x!tpu.dma_semaphore, #tpu.memory_space<semaphore_mem>> -> memref<!tpu.dma_semaphore, #tpu.memory_space<semaphore_mem>>
      %dma_wait3A_812 = arith.constant 0 : i32
      %dma_wait3A_813 = tpu.memref_slice %arg4[%add3A_801, %dma_wait3A_812] : memref<16384x2048xf32, #tpu.memory_space<hbm>> -> memref<8x2048xf32, #tpu.memory_space<hbm>>
      %dma_wait3A_814 = arith.constant 0 : i32
      %dma_wait3A_815 = arith.constant 0 : i32
      %dma_wait3A_816 = tpu.memref_slice %arg6[%dma_wait3A_802, %dma_wait3A_814, %dma_wait3A_815] : memref<4x8x2048xf32, #tpu.memory_space<vmem>> -> memref<1x8x2048xf32, #tpu.memory_space<vmem>>
      %dma_wait3A_817 = tpu.memref_squeeze %dma_wait3A_816 : memref<1x8x2048xf32, #tpu.memory_space<vmem>> -> memref<8x2048xf32, #tpu.memory_space<vmem>>
      tpu.wait_dma2 semaphore(%dma_wait3A_811 : memref<!tpu.dma_semaphore, #tpu.memory_space<semaphore_mem>>) src(%dma_wait3A_817 : memref<8x2048xf32, #tpu.memory_space<vmem>>) dst(%dma_wait3A_813 : memref<8x2048xf32, #tpu.memory_space<hbm>>)
      %add3A_818 = arith.constant 2 : i32
      %add3A_819 = arith.addi %add3A_761, %add3A_818 : i32
      %mul3A_820 = arith.constant 8 : i32
      %mul3A_821 = arith.muli %add3A_819, %mul3A_820 : i32
      %dma_start3A_822 = arith.constant 1 : i32
      %dma_start3A_823 = arith.constant 1 : i32
      %dma_start3A_824 = arith.constant 0 : i32
      %dma_start3A_825 = arith.constant 0 : i32
      %dma_start3A_826 = tpu.memref_slice %arg6[%dma_start3A_822, %dma_start3A_824, %dma_start3A_825] : memref<4x8x2048xf32, #tpu.memory_space<vmem>> -> memref<1x8x2048xf32, #tpu.memory_space<vmem>>
      %dma_start3A_827 = tpu.memref_squeeze %dma_start3A_826 : memref<1x8x2048xf32, #tpu.memory_space<vmem>> -> memref<8x2048xf32, #tpu.memory_space<vmem>>
      %dma_start3A_828 = tpu.memref_slice %arg5[%mul3A_821] : memref<512xi32, #tpu.memory_space<vmem>> -> memref<8xi32, #tpu.memory_space<vmem>>
      %dma_start3A_829 = arith.constant 0 : i32
      %dma_start3A_830 = arith.constant 0 : i32
      %dma_start3A_831 = tpu.memref_slice %arg3[%dma_start3A_829, %dma_start3A_830] : memref<100000x2048xf32, #tpu.memory_space<hbm>> -> memref<100000x2048xf32, #tpu.memory_space<hbm>>
      %dma_start3A_832 = tpu.memref_slice %arg7[%dma_start3A_823] : memref<4x!tpu.dma_semaphore, #tpu.memory_space<semaphore_mem>> -> memref<1x!tpu.dma_semaphore, #tpu.memory_space<semaphore_mem>>
      %dma_start3A_833 = tpu.memref_squeeze %dma_start3A_832 : memref<1x!tpu.dma_semaphore, #tpu.memory_space<semaphore_mem>> -> memref<!tpu.dma_semaphore, #tpu.memory_space<semaphore_mem>>
      tpu.enqueue_indirect_dma source(%dma_start3A_831 : memref<100000x2048xf32, #tpu.memory_space<hbm>>) target(%dma_start3A_827 : memref<8x2048xf32, #tpu.memory_space<vmem>>) offsets(%dma_start3A_828 : memref<8xi32, #tpu.memory_space<vmem>>) semaphore(%dma_start3A_833 : memref<!tpu.dma_semaphore, #tpu.memory_space<semaphore_mem>>)
    }
    %scan3A_274 = arith.constant 14 : i32
    %dma_wait3A_275 = arith.constant 0 : i32
    %dma_wait3A_276 = arith.constant 0 : i32
    %dma_wait3A_277 = arith.constant 0 : i32
    %dma_wait3A_278 = arith.constant 0 : i32
    %dma_wait3A_279 = tpu.memref_slice %arg6[%dma_wait3A_275, %dma_wait3A_277, %dma_wait3A_278] : memref<4x8x2048xf32, #tpu.memory_space<vmem>> -> memref<1x8x2048xf32, #tpu.memory_space<vmem>>
    %dma_wait3A_280 = tpu.memref_squeeze %dma_wait3A_279 : memref<1x8x2048xf32, #tpu.memory_space<vmem>> -> memref<8x2048xf32, #tpu.memory_space<vmem>>
    %dma_wait3A_281 = arith.constant 480 : i32
    %dma_wait3A_282 = tpu.memref_slice %arg5[%dma_wait3A_281] : memref<512xi32, #tpu.memory_space<vmem>> -> memref<8xi32, #tpu.memory_space<vmem>>
    %dma_wait3A_283 = arith.constant 0 : i32
    %dma_wait3A_284 = arith.constant 0 : i32
    %dma_wait3A_285 = tpu.memref_slice %arg3[%dma_wait3A_283, %dma_wait3A_284] : memref<100000x2048xf32, #tpu.memory_space<hbm>> -> memref<100000x2048xf32, #tpu.memory_space<hbm>>
    %dma_wait3A_286 = tpu.memref_slice %arg7[%dma_wait3A_276] : memref<4x!tpu.dma_semaphore, #tpu.memory_space<semaphore_mem>> -> memref<1x!tpu.dma_semaphore, #tpu.memory_space<semaphore_mem>>
    %dma_wait3A_287 = tpu.memref_squeeze %dma_wait3A_286 : memref<1x!tpu.dma_semaphore, #tpu.memory_space<semaphore_mem>> -> memref<!tpu.dma_semaphore, #tpu.memory_space<semaphore_mem>>
    tpu.wait_indirect_dma semaphore(%dma_wait3A_287 : memref<!tpu.dma_semaphore, #tpu.memory_space<semaphore_mem>>) src(%dma_wait3A_285 : memref<100000x2048xf32, #tpu.memory_space<hbm>>) dst(%dma_wait3A_280 : memref<8x2048xf32, #tpu.memory_space<vmem>>)
    %add3A_288 = arith.constant 480 : i32
    %add3A_289 = arith.addi %mul3A_2, %add3A_288 : i32
    %dma_start3A_290 = arith.constant 0 : i32
    %dma_start3A_291 = arith.constant 0 : i32
    %dma_start3A_292 = arith.constant 0 : i32
    %dma_start3A_293 = arith.constant 0 : i32
    %dma_start3A_294 = tpu.memref_slice %arg6[%dma_start3A_290, %dma_start3A_292, %dma_start3A_293] : memref<4x8x2048xf32, #tpu.memory_space<vmem>> -> memref<1x8x2048xf32, #tpu.memory_space<vmem>>
    %dma_start3A_295 = tpu.memref_squeeze %dma_start3A_294 : memref<1x8x2048xf32, #tpu.memory_space<vmem>> -> memref<8x2048xf32, #tpu.memory_space<vmem>>
    %dma_start3A_296 = arith.constant 0 : i32
    %dma_start3A_297 = tpu.memref_slice %arg4[%add3A_289, %dma_start3A_296] : memref<16384x2048xf32, #tpu.memory_space<hbm>> -> memref<8x2048xf32, #tpu.memory_space<hbm>>
    %dma_start3A_298 = tpu.memref_slice %arg8[%dma_start3A_291] : memref<4x!tpu.dma_semaphore, #tpu.memory_space<semaphore_mem>> -> memref<1x!tpu.dma_semaphore, #tpu.memory_space<semaphore_mem>>
    %dma_start3A_299 = tpu.memref_squeeze %dma_start3A_298 : memref<1x!tpu.dma_semaphore, #tpu.memory_space<semaphore_mem>> -> memref<!tpu.dma_semaphore, #tpu.memory_space<semaphore_mem>>
    %dma_start3A_300 = arith.constant 0 : i32
    %dma_start3A_301 = tpu.memref_slice %arg4[%add3A_289, %dma_start3A_300] : memref<16384x2048xf32, #tpu.memory_space<hbm>> -> memref<8x2048xf32, #tpu.memory_space<hbm>>
    %dma_start3A_302 = arith.constant 0 : i32
    %dma_start3A_303 = arith.constant 0 : i32
    %dma_start3A_304 = tpu.memref_slice %arg6[%dma_start3A_290, %dma_start3A_302, %dma_start3A_303] : memref<4x8x2048xf32, #tpu.memory_space<vmem>> -> memref<1x8x2048xf32, #tpu.memory_space<vmem>>
    %dma_start3A_305 = tpu.memref_squeeze %dma_start3A_304 : memref<1x8x2048xf32, #tpu.memory_space<vmem>> -> memref<8x2048xf32, #tpu.memory_space<vmem>>
    tpu.enqueue_dma source(%dma_start3A_305 : memref<8x2048xf32, #tpu.memory_space<vmem>>) target(%dma_start3A_301 : memref<8x2048xf32, #tpu.memory_space<hbm>>) target_semaphore(%dma_start3A_299 : memref<!tpu.dma_semaphore, #tpu.memory_space<semaphore_mem>>)
    %add3A_306 = arith.constant 464 : i32
    %add3A_307 = arith.addi %mul3A_2, %add3A_306 : i32
    %dma_wait3A_308 = arith.constant 2 : i32
    %dma_wait3A_309 = arith.constant 2 : i32
    %dma_wait3A_310 = arith.constant 0 : i32
    %dma_wait3A_311 = arith.constant 0 : i32
    %dma_wait3A_312 = tpu.memref_slice %arg6[%dma_wait3A_308, %dma_wait3A_310, %dma_wait3A_311] : memref<4x8x2048xf32, #tpu.memory_space<vmem>> -> memref<1x8x2048xf32, #tpu.memory_space<vmem>>
    %dma_wait3A_313 = tpu.memref_squeeze %dma_wait3A_312 : memref<1x8x2048xf32, #tpu.memory_space<vmem>> -> memref<8x2048xf32, #tpu.memory_space<vmem>>
    %dma_wait3A_314 = arith.constant 0 : i32
    %dma_wait3A_315 = tpu.memref_slice %arg4[%add3A_307, %dma_wait3A_314] : memref<16384x2048xf32, #tpu.memory_space<hbm>> -> memref<8x2048xf32, #tpu.memory_space<hbm>>
    %dma_wait3A_316 = tpu.memref_slice %arg8[%dma_wait3A_309] : memref<4x!tpu.dma_semaphore, #tpu.memory_space<semaphore_mem>> -> memref<1x!tpu.dma_semaphore, #tpu.memory_space<semaphore_mem>>
    %dma_wait3A_317 = tpu.memref_squeeze %dma_wait3A_316 : memref<1x!tpu.dma_semaphore, #tpu.memory_space<semaphore_mem>> -> memref<!tpu.dma_semaphore, #tpu.memory_space<semaphore_mem>>
    %dma_wait3A_318 = arith.constant 0 : i32
    %dma_wait3A_319 = tpu.memref_slice %arg4[%add3A_307, %dma_wait3A_318] : memref<16384x2048xf32, #tpu.memory_space<hbm>> -> memref<8x2048xf32, #tpu.memory_space<hbm>>
    %dma_wait3A_320 = arith.constant 0 : i32
    %dma_wait3A_321 = arith.constant 0 : i32
    %dma_wait3A_322 = tpu.memref_slice %arg6[%dma_wait3A_308, %dma_wait3A_320, %dma_wait3A_321] : memref<4x8x2048xf32, #tpu.memory_space<vmem>> -> memref<1x8x2048xf32, #tpu.memory_space<vmem>>
    %dma_wait3A_323 = tpu.memref_squeeze %dma_wait3A_322 : memref<1x8x2048xf32, #tpu.memory_space<vmem>> -> memref<8x2048xf32, #tpu.memory_space<vmem>>
    tpu.wait_dma2 semaphore(%dma_wait3A_317 : memref<!tpu.dma_semaphore, #tpu.memory_space<semaphore_mem>>) src(%dma_wait3A_323 : memref<8x2048xf32, #tpu.memory_space<vmem>>) dst(%dma_wait3A_319 : memref<8x2048xf32, #tpu.memory_space<hbm>>)
    %dma_start3A_324 = arith.constant 2 : i32
    %dma_start3A_325 = arith.constant 2 : i32
    %dma_start3A_326 = arith.constant 0 : i32
    %dma_start3A_327 = arith.constant 0 : i32
    %dma_start3A_328 = tpu.memref_slice %arg6[%dma_start3A_324, %dma_start3A_326, %dma_start3A_327] : memref<4x8x2048xf32, #tpu.memory_space<vmem>> -> memref<1x8x2048xf32, #tpu.memory_space<vmem>>
    %dma_start3A_329 = tpu.memref_squeeze %dma_start3A_328 : memref<1x8x2048xf32, #tpu.memory_space<vmem>> -> memref<8x2048xf32, #tpu.memory_space<vmem>>
    %dma_start3A_330 = arith.constant 496 : i32
    %dma_start3A_331 = tpu.memref_slice %arg5[%dma_start3A_330] : memref<512xi32, #tpu.memory_space<vmem>> -> memref<8xi32, #tpu.memory_space<vmem>>
    %dma_start3A_332 = arith.constant 0 : i32
    %dma_start3A_333 = arith.constant 0 : i32
    %dma_start3A_334 = tpu.memref_slice %arg3[%dma_start3A_332, %dma_start3A_333] : memref<100000x2048xf32, #tpu.memory_space<hbm>> -> memref<100000x2048xf32, #tpu.memory_space<hbm>>
    %dma_start3A_335 = tpu.memref_slice %arg7[%dma_start3A_325] : memref<4x!tpu.dma_semaphore, #tpu.memory_space<semaphore_mem>> -> memref<1x!tpu.dma_semaphore, #tpu.memory_space<semaphore_mem>>
    %dma_start3A_336 = tpu.memref_squeeze %dma_start3A_335 : memref<1x!tpu.dma_semaphore, #tpu.memory_space<semaphore_mem>> -> memref<!tpu.dma_semaphore, #tpu.memory_space<semaphore_mem>>
    tpu.enqueue_indirect_dma source(%dma_start3A_334 : memref<100000x2048xf32, #tpu.memory_space<hbm>>) target(%dma_start3A_329 : memref<8x2048xf32, #tpu.memory_space<vmem>>) offsets(%dma_start3A_331 : memref<8xi32, #tpu.memory_space<vmem>>) semaphore(%dma_start3A_336 : memref<!tpu.dma_semaphore, #tpu.memory_space<semaphore_mem>>)
    %dma_wait3A_337 = arith.constant 1 : i32
    %dma_wait3A_338 = arith.constant 1 : i32
    %dma_wait3A_339 = arith.constant 0 : i32
    %dma_wait3A_340 = arith.constant 0 : i32
    %dma_wait3A_341 = tpu.memref_slice %arg6[%dma_wait3A_337, %dma_wait3A_339, %dma_wait3A_340] : memref<4x8x2048xf32, #tpu.memory_space<vmem>> -> memref<1x8x2048xf32, #tpu.memory_space<vmem>>
    %dma_wait3A_342 = tpu.memref_squeeze %dma_wait3A_341 : memref<1x8x2048xf32, #tpu.memory_space<vmem>> -> memref<8x2048xf32, #tpu.memory_space<vmem>>
    %dma_wait3A_343 = arith.constant 488 : i32
    %dma_wait3A_344 = tpu.memref_slice %arg5[%dma_wait3A_343] : memref<512xi32, #tpu.memory_space<vmem>> -> memref<8xi32, #tpu.memory_space<vmem>>
    %dma_wait3A_345 = arith.constant 0 : i32
    %dma_wait3A_346 = arith.constant 0 : i32
    %dma_wait3A_347 = tpu.memref_slice %arg3[%dma_wait3A_345, %dma_wait3A_346] : memref<100000x2048xf32, #tpu.memory_space<hbm>> -> memref<100000x2048xf32, #tpu.memory_space<hbm>>
    %dma_wait3A_348 = tpu.memref_slice %arg7[%dma_wait3A_338] : memref<4x!tpu.dma_semaphore, #tpu.memory_space<semaphore_mem>> -> memref<1x!tpu.dma_semaphore, #tpu.memory_space<semaphore_mem>>
    %dma_wait3A_349 = tpu.memref_squeeze %dma_wait3A_348 : memref<1x!tpu.dma_semaphore, #tpu.memory_space<semaphore_mem>> -> memref<!tpu.dma_semaphore, #tpu.memory_space<semaphore_mem>>
    tpu.wait_indirect_dma semaphore(%dma_wait3A_349 : memref<!tpu.dma_semaphore, #tpu.memory_space<semaphore_mem>>) src(%dma_wait3A_347 : memref<100000x2048xf32, #tpu.memory_space<hbm>>) dst(%dma_wait3A_342 : memref<8x2048xf32, #tpu.memory_space<vmem>>)
    %add3A_350 = arith.constant 488 : i32
    %add3A_351 = arith.addi %mul3A_2, %add3A_350 : i32
    %dma_start3A_352 = arith.constant 1 : i32
    %dma_start3A_353 = arith.constant 1 : i32
    %dma_start3A_354 = arith.constant 0 : i32
    %dma_start3A_355 = arith.constant 0 : i32
    %dma_start3A_356 = tpu.memref_slice %arg6[%dma_start3A_352, %dma_start3A_354, %dma_start3A_355] : memref<4x8x2048xf32, #tpu.memory_space<vmem>> -> memref<1x8x2048xf32, #tpu.memory_space<vmem>>
    %dma_start3A_357 = tpu.memref_squeeze %dma_start3A_356 : memref<1x8x2048xf32, #tpu.memory_space<vmem>> -> memref<8x2048xf32, #tpu.memory_space<vmem>>
    %dma_start3A_358 = arith.constant 0 : i32
    %dma_start3A_359 = tpu.memref_slice %arg4[%add3A_351, %dma_start3A_358] : memref<16384x2048xf32, #tpu.memory_space<hbm>> -> memref<8x2048xf32, #tpu.memory_space<hbm>>
    %dma_start3A_360 = tpu.memref_slice %arg8[%dma_start3A_353] : memref<4x!tpu.dma_semaphore, #tpu.memory_space<semaphore_mem>> -> memref<1x!tpu.dma_semaphore, #tpu.memory_space<semaphore_mem>>
    %dma_start3A_361 = tpu.memref_squeeze %dma_start3A_360 : memref<1x!tpu.dma_semaphore, #tpu.memory_space<semaphore_mem>> -> memref<!tpu.dma_semaphore, #tpu.memory_space<semaphore_mem>>
    %dma_start3A_362 = arith.constant 0 : i32
    %dma_start3A_363 = tpu.memref_slice %arg4[%add3A_351, %dma_start3A_362] : memref<16384x2048xf32, #tpu.memory_space<hbm>> -> memref<8x2048xf32, #tpu.memory_space<hbm>>
    %dma_start3A_364 = arith.constant 0 : i32
    %dma_start3A_365 = arith.constant 0 : i32
    %dma_start3A_366 = tpu.memref_slice %arg6[%dma_start3A_352, %dma_start3A_364, %dma_start3A_365] : memref<4x8x2048xf32, #tpu.memory_space<vmem>> -> memref<1x8x2048xf32, #tpu.memory_space<vmem>>
    %dma_start3A_367 = tpu.memref_squeeze %dma_start3A_366 : memref<1x8x2048xf32, #tpu.memory_space<vmem>> -> memref<8x2048xf32, #tpu.memory_space<vmem>>
    tpu.enqueue_dma source(%dma_start3A_367 : memref<8x2048xf32, #tpu.memory_space<vmem>>) target(%dma_start3A_363 : memref<8x2048xf32, #tpu.memory_space<hbm>>) target_semaphore(%dma_start3A_361 : memref<!tpu.dma_semaphore, #tpu.memory_space<semaphore_mem>>)
    %add3A_368 = arith.constant 472 : i32
    %add3A_369 = arith.addi %mul3A_2, %add3A_368 : i32
    %dma_wait3A_370 = arith.constant 3 : i32
    %dma_wait3A_371 = arith.constant 3 : i32
    %dma_wait3A_372 = arith.constant 0 : i32
    %dma_wait3A_373 = arith.constant 0 : i32
    %dma_wait3A_374 = tpu.memref_slice %arg6[%dma_wait3A_370, %dma_wait3A_372, %dma_wait3A_373] : memref<4x8x2048xf32, #tpu.memory_space<vmem>> -> memref<1x8x2048xf32, #tpu.memory_space<vmem>>
    %dma_wait3A_375 = tpu.memref_squeeze %dma_wait3A_374 : memref<1x8x2048xf32, #tpu.memory_space<vmem>> -> memref<8x2048xf32, #tpu.memory_space<vmem>>
    %dma_wait3A_376 = arith.constant 0 : i32
    %dma_wait3A_377 = tpu.memref_slice %arg4[%add3A_369, %dma_wait3A_376] : memref<16384x2048xf32, #tpu.memory_space<hbm>> -> memref<8x2048xf32, #tpu.memory_space<hbm>>
    %dma_wait3A_378 = tpu.memref_slice %arg8[%dma_wait3A_371] : memref<4x!tpu.dma_semaphore, #tpu.memory_space<semaphore_mem>> -> memref<1x!tpu.dma_semaphore, #tpu.memory_space<semaphore_mem>>
    %dma_wait3A_379 = tpu.memref_squeeze %dma_wait3A_378 : memref<1x!tpu.dma_semaphore, #tpu.memory_space<semaphore_mem>> -> memref<!tpu.dma_semaphore, #tpu.memory_space<semaphore_mem>>
    %dma_wait3A_380 = arith.constant 0 : i32
    %dma_wait3A_381 = tpu.memref_slice %arg4[%add3A_369, %dma_wait3A_380] : memref<16384x2048xf32, #tpu.memory_space<hbm>> -> memref<8x2048xf32, #tpu.memory_space<hbm>>
    %dma_wait3A_382 = arith.constant 0 : i32
    %dma_wait3A_383 = arith.constant 0 : i32
    %dma_wait3A_384 = tpu.memref_slice %arg6[%dma_wait3A_370, %dma_wait3A_382, %dma_wait3A_383] : memref<4x8x2048xf32, #tpu.memory_space<vmem>> -> memref<1x8x2048xf32, #tpu.memory_space<vmem>>
    %dma_wait3A_385 = tpu.memref_squeeze %dma_wait3A_384 : memref<1x8x2048xf32, #tpu.memory_space<vmem>> -> memref<8x2048xf32, #tpu.memory_space<vmem>>
    tpu.wait_dma2 semaphore(%dma_wait3A_379 : memref<!tpu.dma_semaphore, #tpu.memory_space<semaphore_mem>>) src(%dma_wait3A_385 : memref<8x2048xf32, #tpu.memory_space<vmem>>) dst(%dma_wait3A_381 : memref<8x2048xf32, #tpu.memory_space<hbm>>)
    %dma_start3A_386 = arith.constant 3 : i32
    %dma_start3A_387 = arith.constant 3 : i32
    %dma_start3A_388 = arith.constant 0 : i32
    %dma_start3A_389 = arith.constant 0 : i32
    %dma_start3A_390 = tpu.memref_slice %arg6[%dma_start3A_386, %dma_start3A_388, %dma_start3A_389] : memref<4x8x2048xf32, #tpu.memory_space<vmem>> -> memref<1x8x2048xf32, #tpu.memory_space<vmem>>
    %dma_start3A_391 = tpu.memref_squeeze %dma_start3A_390 : memref<1x8x2048xf32, #tpu.memory_space<vmem>> -> memref<8x2048xf32, #tpu.memory_space<vmem>>
    %dma_start3A_392 = arith.constant 504 : i32
    %dma_start3A_393 = tpu.memref_slice %arg5[%dma_start3A_392] : memref<512xi32, #tpu.memory_space<vmem>> -> memref<8xi32, #tpu.memory_space<vmem>>
    %dma_start3A_394 = arith.constant 0 : i32
    %dma_start3A_395 = arith.constant 0 : i32
    %dma_start3A_396 = tpu.memref_slice %arg3[%dma_start3A_394, %dma_start3A_395] : memref<100000x2048xf32, #tpu.memory_space<hbm>> -> memref<100000x2048xf32, #tpu.memory_space<hbm>>
    %dma_start3A_397 = tpu.memref_slice %arg7[%dma_start3A_387] : memref<4x!tpu.dma_semaphore, #tpu.memory_space<semaphore_mem>> -> memref<1x!tpu.dma_semaphore, #tpu.memory_space<semaphore_mem>>
    %dma_start3A_398 = tpu.memref_squeeze %dma_start3A_397 : memref<1x!tpu.dma_semaphore, #tpu.memory_space<semaphore_mem>> -> memref<!tpu.dma_semaphore, #tpu.memory_space<semaphore_mem>>
    tpu.enqueue_indirect_dma source(%dma_start3A_396 : memref<100000x2048xf32, #tpu.memory_space<hbm>>) target(%dma_start3A_391 : memref<8x2048xf32, #tpu.memory_space<vmem>>) offsets(%dma_start3A_393 : memref<8xi32, #tpu.memory_space<vmem>>) semaphore(%dma_start3A_398 : memref<!tpu.dma_semaphore, #tpu.memory_space<semaphore_mem>>)
    %dma_wait3A_399 = arith.constant 2 : i32
    %dma_wait3A_400 = arith.constant 2 : i32
    %dma_wait3A_401 = arith.constant 0 : i32
    %dma_wait3A_402 = arith.constant 0 : i32
    %dma_wait3A_403 = tpu.memref_slice %arg6[%dma_wait3A_399, %dma_wait3A_401, %dma_wait3A_402] : memref<4x8x2048xf32, #tpu.memory_space<vmem>> -> memref<1x8x2048xf32, #tpu.memory_space<vmem>>
    %dma_wait3A_404 = tpu.memref_squeeze %dma_wait3A_403 : memref<1x8x2048xf32, #tpu.memory_space<vmem>> -> memref<8x2048xf32, #tpu.memory_space<vmem>>
    %dma_wait3A_405 = arith.constant 496 : i32
    %dma_wait3A_406 = tpu.memref_slice %arg5[%dma_wait3A_405] : memref<512xi32, #tpu.memory_space<vmem>> -> memref<8xi32, #tpu.memory_space<vmem>>
    %dma_wait3A_407 = arith.constant 0 : i32
    %dma_wait3A_408 = arith.constant 0 : i32
    %dma_wait3A_409 = tpu.memref_slice %arg3[%dma_wait3A_407, %dma_wait3A_408] : memref<100000x2048xf32, #tpu.memory_space<hbm>> -> memref<100000x2048xf32, #tpu.memory_space<hbm>>
    %dma_wait3A_410 = tpu.memref_slice %arg7[%dma_wait3A_400] : memref<4x!tpu.dma_semaphore, #tpu.memory_space<semaphore_mem>> -> memref<1x!tpu.dma_semaphore, #tpu.memory_space<semaphore_mem>>
    %dma_wait3A_411 = tpu.memref_squeeze %dma_wait3A_410 : memref<1x!tpu.dma_semaphore, #tpu.memory_space<semaphore_mem>> -> memref<!tpu.dma_semaphore, #tpu.memory_space<semaphore_mem>>
    tpu.wait_indirect_dma semaphore(%dma_wait3A_411 : memref<!tpu.dma_semaphore, #tpu.memory_space<semaphore_mem>>) src(%dma_wait3A_409 : memref<100000x2048xf32, #tpu.memory_space<hbm>>) dst(%dma_wait3A_404 : memref<8x2048xf32, #tpu.memory_space<vmem>>)
    %add3A_412 = arith.constant 496 : i32
    %add3A_413 = arith.addi %mul3A_2, %add3A_412 : i32
    %dma_start3A_414 = arith.constant 2 : i32
    %dma_start3A_415 = arith.constant 2 : i32
    %dma_start3A_416 = arith.constant 0 : i32
    %dma_start3A_417 = arith.constant 0 : i32
    %dma_start3A_418 = tpu.memref_slice %arg6[%dma_start3A_414, %dma_start3A_416, %dma_start3A_417] : memref<4x8x2048xf32, #tpu.memory_space<vmem>> -> memref<1x8x2048xf32, #tpu.memory_space<vmem>>
    %dma_start3A_419 = tpu.memref_squeeze %dma_start3A_418 : memref<1x8x2048xf32, #tpu.memory_space<vmem>> -> memref<8x2048xf32, #tpu.memory_space<vmem>>
    %dma_start3A_420 = arith.constant 0 : i32
    %dma_start3A_421 = tpu.memref_slice %arg4[%add3A_413, %dma_start3A_420] : memref<16384x2048xf32, #tpu.memory_space<hbm>> -> memref<8x2048xf32, #tpu.memory_space<hbm>>
    %dma_start3A_422 = tpu.memref_slice %arg8[%dma_start3A_415] : memref<4x!tpu.dma_semaphore, #tpu.memory_space<semaphore_mem>> -> memref<1x!tpu.dma_semaphore, #tpu.memory_space<semaphore_mem>>
    %dma_start3A_423 = tpu.memref_squeeze %dma_start3A_422 : memref<1x!tpu.dma_semaphore, #tpu.memory_space<semaphore_mem>> -> memref<!tpu.dma_semaphore, #tpu.memory_space<semaphore_mem>>
    %dma_start3A_424 = arith.constant 0 : i32
    %dma_start3A_425 = tpu.memref_slice %arg4[%add3A_413, %dma_start3A_424] : memref<16384x2048xf32, #tpu.memory_space<hbm>> -> memref<8x2048xf32, #tpu.memory_space<hbm>>
    %dma_start3A_426 = arith.constant 0 : i32
    %dma_start3A_427 = arith.constant 0 : i32
    %dma_start3A_428 = tpu.memref_slice %arg6[%dma_start3A_414, %dma_start3A_426, %dma_start3A_427] : memref<4x8x2048xf32, #tpu.memory_space<vmem>> -> memref<1x8x2048xf32, #tpu.memory_space<vmem>>
    %dma_start3A_429 = tpu.memref_squeeze %dma_start3A_428 : memref<1x8x2048xf32, #tpu.memory_space<vmem>> -> memref<8x2048xf32, #tpu.memory_space<vmem>>
    tpu.enqueue_dma source(%dma_start3A_429 : memref<8x2048xf32, #tpu.memory_space<vmem>>) target(%dma_start3A_425 : memref<8x2048xf32, #tpu.memory_space<hbm>>) target_semaphore(%dma_start3A_423 : memref<!tpu.dma_semaphore, #tpu.memory_space<semaphore_mem>>)
    %dma_wait3A_430 = arith.constant 3 : i32
    %dma_wait3A_431 = arith.constant 3 : i32
    %dma_wait3A_432 = arith.constant 0 : i32
    %dma_wait3A_433 = arith.constant 0 : i32
    %dma_wait3A_434 = tpu.memref_slice %arg6[%dma_wait3A_430, %dma_wait3A_432, %dma_wait3A_433] : memref<4x8x2048xf32, #tpu.memory_space<vmem>> -> memref<1x8x2048xf32, #tpu.memory_space<vmem>>
    %dma_wait3A_435 = tpu.memref_squeeze %dma_wait3A_434 : memref<1x8x2048xf32, #tpu.memory_space<vmem>> -> memref<8x2048xf32, #tpu.memory_space<vmem>>
    %dma_wait3A_436 = arith.constant 504 : i32
    %dma_wait3A_437 = tpu.memref_slice %arg5[%dma_wait3A_436] : memref<512xi32, #tpu.memory_space<vmem>> -> memref<8xi32, #tpu.memory_space<vmem>>
    %dma_wait3A_438 = arith.constant 0 : i32
    %dma_wait3A_439 = arith.constant 0 : i32
    %dma_wait3A_440 = tpu.memref_slice %arg3[%dma_wait3A_438, %dma_wait3A_439] : memref<100000x2048xf32, #tpu.memory_space<hbm>> -> memref<100000x2048xf32, #tpu.memory_space<hbm>>
    %dma_wait3A_441 = tpu.memref_slice %arg7[%dma_wait3A_431] : memref<4x!tpu.dma_semaphore, #tpu.memory_space<semaphore_mem>> -> memref<1x!tpu.dma_semaphore, #tpu.memory_space<semaphore_mem>>
    %dma_wait3A_442 = tpu.memref_squeeze %dma_wait3A_441 : memref<1x!tpu.dma_semaphore, #tpu.memory_space<semaphore_mem>> -> memref<!tpu.dma_semaphore, #tpu.memory_space<semaphore_mem>>
    tpu.wait_indirect_dma semaphore(%dma_wait3A_442 : memref<!tpu.dma_semaphore, #tpu.memory_space<semaphore_mem>>) src(%dma_wait3A_440 : memref<100000x2048xf32, #tpu.memory_space<hbm>>) dst(%dma_wait3A_435 : memref<8x2048xf32, #tpu.memory_space<vmem>>)
    %add3A_443 = arith.constant 504 : i32
    %add3A_444 = arith.addi %mul3A_2, %add3A_443 : i32
    %dma_start3A_445 = arith.constant 3 : i32
    %dma_start3A_446 = arith.constant 3 : i32
    %dma_start3A_447 = arith.constant 0 : i32
    %dma_start3A_448 = arith.constant 0 : i32
    %dma_start3A_449 = tpu.memref_slice %arg6[%dma_start3A_445, %dma_start3A_447, %dma_start3A_448] : memref<4x8x2048xf32, #tpu.memory_space<vmem>> -> memref<1x8x2048xf32, #tpu.memory_space<vmem>>
    %dma_start3A_450 = tpu.memref_squeeze %dma_start3A_449 : memref<1x8x2048xf32, #tpu.memory_space<vmem>> -> memref<8x2048xf32, #tpu.memory_space<vmem>>
    %dma_start3A_451 = arith.constant 0 : i32
    %dma_start3A_452 = tpu.memref_slice %arg4[%add3A_444, %dma_start3A_451] : memref<16384x2048xf32, #tpu.memory_space<hbm>> -> memref<8x2048xf32, #tpu.memory_space<hbm>>
    %dma_start3A_453 = tpu.memref_slice %arg8[%dma_start3A_446] : memref<4x!tpu.dma_semaphore, #tpu.memory_space<semaphore_mem>> -> memref<1x!tpu.dma_semaphore, #tpu.memory_space<semaphore_mem>>
    %dma_start3A_454 = tpu.memref_squeeze %dma_start3A_453 : memref<1x!tpu.dma_semaphore, #tpu.memory_space<semaphore_mem>> -> memref<!tpu.dma_semaphore, #tpu.memory_space<semaphore_mem>>
    %dma_start3A_455 = arith.constant 0 : i32
    %dma_start3A_456 = tpu.memref_slice %arg4[%add3A_444, %dma_start3A_455] : memref<16384x2048xf32, #tpu.memory_space<hbm>> -> memref<8x2048xf32, #tpu.memory_space<hbm>>
    %dma_start3A_457 = arith.constant 0 : i32
    %dma_start3A_458 = arith.constant 0 : i32
    %dma_start3A_459 = tpu.memref_slice %arg6[%dma_start3A_445, %dma_start3A_457, %dma_start3A_458] : memref<4x8x2048xf32, #tpu.memory_space<vmem>> -> memref<1x8x2048xf32, #tpu.memory_space<vmem>>
    %dma_start3A_460 = tpu.memref_squeeze %dma_start3A_459 : memref<1x8x2048xf32, #tpu.memory_space<vmem>> -> memref<8x2048xf32, #tpu.memory_space<vmem>>
    tpu.enqueue_dma source(%dma_start3A_460 : memref<8x2048xf32, #tpu.memory_space<vmem>>) target(%dma_start3A_456 : memref<8x2048xf32, #tpu.memory_space<hbm>>) target_semaphore(%dma_start3A_454 : memref<!tpu.dma_semaphore, #tpu.memory_space<semaphore_mem>>)
    %add3A_461 = arith.constant 480 : i32
    %add3A_462 = arith.addi %mul3A_2, %add3A_461 : i32
    %dma_wait3A_463 = arith.constant 0 : i32
    %dma_wait3A_464 = arith.constant 0 : i32
    %dma_wait3A_465 = arith.constant 0 : i32
    %dma_wait3A_466 = arith.constant 0 : i32
    %dma_wait3A_467 = tpu.memref_slice %arg6[%dma_wait3A_463, %dma_wait3A_465, %dma_wait3A_466] : memref<4x8x2048xf32, #tpu.memory_space<vmem>> -> memref<1x8x2048xf32, #tpu.memory_space<vmem>>
    %dma_wait3A_468 = tpu.memref_squeeze %dma_wait3A_467 : memref<1x8x2048xf32, #tpu.memory_space<vmem>> -> memref<8x2048xf32, #tpu.memory_space<vmem>>
    %dma_wait3A_469 = arith.constant 0 : i32
    %dma_wait3A_470 = tpu.memref_slice %arg4[%add3A_462, %dma_wait3A_469] : memref<16384x2048xf32, #tpu.memory_space<hbm>> -> memref<8x2048xf32, #tpu.memory_space<hbm>>
    %dma_wait3A_471 = tpu.memref_slice %arg8[%dma_wait3A_464] : memref<4x!tpu.dma_semaphore, #tpu.memory_space<semaphore_mem>> -> memref<1x!tpu.dma_semaphore, #tpu.memory_space<semaphore_mem>>
    %dma_wait3A_472 = tpu.memref_squeeze %dma_wait3A_471 : memref<1x!tpu.dma_semaphore, #tpu.memory_space<semaphore_mem>> -> memref<!tpu.dma_semaphore, #tpu.memory_space<semaphore_mem>>
    %dma_wait3A_473 = arith.constant 0 : i32
    %dma_wait3A_474 = tpu.memref_slice %arg4[%add3A_462, %dma_wait3A_473] : memref<16384x2048xf32, #tpu.memory_space<hbm>> -> memref<8x2048xf32, #tpu.memory_space<hbm>>
    %dma_wait3A_475 = arith.constant 0 : i32
    %dma_wait3A_476 = arith.constant 0 : i32
    %dma_wait3A_477 = tpu.memref_slice %arg6[%dma_wait3A_463, %dma_wait3A_475, %dma_wait3A_476] : memref<4x8x2048xf32, #tpu.memory_space<vmem>> -> memref<1x8x2048xf32, #tpu.memory_space<vmem>>
    %dma_wait3A_478 = tpu.memref_squeeze %dma_wait3A_477 : memref<1x8x2048xf32, #tpu.memory_space<vmem>> -> memref<8x2048xf32, #tpu.memory_space<vmem>>
    tpu.wait_dma2 semaphore(%dma_wait3A_472 : memref<!tpu.dma_semaphore, #tpu.memory_space<semaphore_mem>>) src(%dma_wait3A_478 : memref<8x2048xf32, #tpu.memory_space<vmem>>) dst(%dma_wait3A_474 : memref<8x2048xf32, #tpu.memory_space<hbm>>)
    %add3A_479 = arith.constant 488 : i32
    %add3A_480 = arith.addi %mul3A_2, %add3A_479 : i32
    %dma_wait3A_481 = arith.constant 1 : i32
    %dma_wait3A_482 = arith.constant 1 : i32
    %dma_wait3A_483 = arith.constant 0 : i32
    %dma_wait3A_484 = arith.constant 0 : i32
    %dma_wait3A_485 = tpu.memref_slice %arg6[%dma_wait3A_481, %dma_wait3A_483, %dma_wait3A_484] : memref<4x8x2048xf32, #tpu.memory_space<vmem>> -> memref<1x8x2048xf32, #tpu.memory_space<vmem>>
    %dma_wait3A_486 = tpu.memref_squeeze %dma_wait3A_485 : memref<1x8x2048xf32, #tpu.memory_space<vmem>> -> memref<8x2048xf32, #tpu.memory_space<vmem>>
    %dma_wait3A_487 = arith.constant 0 : i32
    %dma_wait3A_488 = tpu.memref_slice %arg4[%add3A_480, %dma_wait3A_487] : memref<16384x2048xf32, #tpu.memory_space<hbm>> -> memref<8x2048xf32, #tpu.memory_space<hbm>>
    %dma_wait3A_489 = tpu.memref_slice %arg8[%dma_wait3A_482] : memref<4x!tpu.dma_semaphore, #tpu.memory_space<semaphore_mem>> -> memref<1x!tpu.dma_semaphore, #tpu.memory_space<semaphore_mem>>
    %dma_wait3A_490 = tpu.memref_squeeze %dma_wait3A_489 : memref<1x!tpu.dma_semaphore, #tpu.memory_space<semaphore_mem>> -> memref<!tpu.dma_semaphore, #tpu.memory_space<semaphore_mem>>
    %dma_wait3A_491 = arith.constant 0 : i32
    %dma_wait3A_492 = tpu.memref_slice %arg4[%add3A_480, %dma_wait3A_491] : memref<16384x2048xf32, #tpu.memory_space<hbm>> -> memref<8x2048xf32, #tpu.memory_space<hbm>>
    %dma_wait3A_493 = arith.constant 0 : i32
    %dma_wait3A_494 = arith.constant 0 : i32
    %dma_wait3A_495 = tpu.memref_slice %arg6[%dma_wait3A_481, %dma_wait3A_493, %dma_wait3A_494] : memref<4x8x2048xf32, #tpu.memory_space<vmem>> -> memref<1x8x2048xf32, #tpu.memory_space<vmem>>
    %dma_wait3A_496 = tpu.memref_squeeze %dma_wait3A_495 : memref<1x8x2048xf32, #tpu.memory_space<vmem>> -> memref<8x2048xf32, #tpu.memory_space<vmem>>
    tpu.wait_dma2 semaphore(%dma_wait3A_490 : memref<!tpu.dma_semaphore, #tpu.memory_space<semaphore_mem>>) src(%dma_wait3A_496 : memref<8x2048xf32, #tpu.memory_space<vmem>>) dst(%dma_wait3A_492 : memref<8x2048xf32, #tpu.memory_space<hbm>>)
    %add3A_497 = arith.constant 496 : i32
    %add3A_498 = arith.addi %mul3A_2, %add3A_497 : i32
    %dma_wait3A_499 = arith.constant 2 : i32
    %dma_wait3A_500 = arith.constant 2 : i32
    %dma_wait3A_501 = arith.constant 0 : i32
    %dma_wait3A_502 = arith.constant 0 : i32
    %dma_wait3A_503 = tpu.memref_slice %arg6[%dma_wait3A_499, %dma_wait3A_501, %dma_wait3A_502] : memref<4x8x2048xf32, #tpu.memory_space<vmem>> -> memref<1x8x2048xf32, #tpu.memory_space<vmem>>
    %dma_wait3A_504 = tpu.memref_squeeze %dma_wait3A_503 : memref<1x8x2048xf32, #tpu.memory_space<vmem>> -> memref<8x2048xf32, #tpu.memory_space<vmem>>
    %dma_wait3A_505 = arith.constant 0 : i32
    %dma_wait3A_506 = tpu.memref_slice %arg4[%add3A_498, %dma_wait3A_505] : memref<16384x2048xf32, #tpu.memory_space<hbm>> -> memref<8x2048xf32, #tpu.memory_space<hbm>>
    %dma_wait3A_507 = tpu.memref_slice %arg8[%dma_wait3A_500] : memref<4x!tpu.dma_semaphore, #tpu.memory_space<semaphore_mem>> -> memref<1x!tpu.dma_semaphore, #tpu.memory_space<semaphore_mem>>
    %dma_wait3A_508 = tpu.memref_squeeze %dma_wait3A_507 : memref<1x!tpu.dma_semaphore, #tpu.memory_space<semaphore_mem>> -> memref<!tpu.dma_semaphore, #tpu.memory_space<semaphore_mem>>
    %dma_wait3A_509 = arith.constant 0 : i32
    %dma_wait3A_510 = tpu.memref_slice %arg4[%add3A_498, %dma_wait3A_509] : memref<16384x2048xf32, #tpu.memory_space<hbm>> -> memref<8x2048xf32, #tpu.memory_space<hbm>>
    %dma_wait3A_511 = arith.constant 0 : i32
    %dma_wait3A_512 = arith.constant 0 : i32
    %dma_wait3A_513 = tpu.memref_slice %arg6[%dma_wait3A_499, %dma_wait3A_511, %dma_wait3A_512] : memref<4x8x2048xf32, #tpu.memory_space<vmem>> -> memref<1x8x2048xf32, #tpu.memory_space<vmem>>
    %dma_wait3A_514 = tpu.memref_squeeze %dma_wait3A_513 : memref<1x8x2048xf32, #tpu.memory_space<vmem>> -> memref<8x2048xf32, #tpu.memory_space<vmem>>
    tpu.wait_dma2 semaphore(%dma_wait3A_508 : memref<!tpu.dma_semaphore, #tpu.memory_space<semaphore_mem>>) src(%dma_wait3A_514 : memref<8x2048xf32, #tpu.memory_space<vmem>>) dst(%dma_wait3A_510 : memref<8x2048xf32, #tpu.memory_space<hbm>>)
    %add3A_515 = arith.constant 504 : i32
    %add3A_516 = arith.addi %mul3A_2, %add3A_515 : i32
    %dma_wait3A_517 = arith.constant 3 : i32
    %dma_wait3A_518 = arith.constant 3 : i32
    %dma_wait3A_519 = arith.constant 0 : i32
    %dma_wait3A_520 = arith.constant 0 : i32
    %dma_wait3A_521 = tpu.memref_slice %arg6[%dma_wait3A_517, %dma_wait3A_519, %dma_wait3A_520] : memref<4x8x2048xf32, #tpu.memory_space<vmem>> -> memref<1x8x2048xf32, #tpu.memory_space<vmem>>
    %dma_wait3A_522 = tpu.memref_squeeze %dma_wait3A_521 : memref<1x8x2048xf32, #tpu.memory_space<vmem>> -> memref<8x2048xf32, #tpu.memory_space<vmem>>
    %dma_wait3A_523 = arith.constant 0 : i32
    %dma_wait3A_524 = tpu.memref_slice %arg4[%add3A_516, %dma_wait3A_523] : memref<16384x2048xf32, #tpu.memory_space<hbm>> -> memref<8x2048xf32, #tpu.memory_space<hbm>>
    %dma_wait3A_525 = tpu.memref_slice %arg8[%dma_wait3A_518] : memref<4x!tpu.dma_semaphore, #tpu.memory_space<semaphore_mem>> -> memref<1x!tpu.dma_semaphore, #tpu.memory_space<semaphore_mem>>
    %dma_wait3A_526 = tpu.memref_squeeze %dma_wait3A_525 : memref<1x!tpu.dma_semaphore, #tpu.memory_space<semaphore_mem>> -> memref<!tpu.dma_semaphore, #tpu.memory_space<semaphore_mem>>
    %dma_wait3A_527 = arith.constant 0 : i32
    %dma_wait3A_528 = tpu.memref_slice %arg4[%add3A_516, %dma_wait3A_527] : memref<16384x2048xf32, #tpu.memory_space<hbm>> -> memref<8x2048xf32, #tpu.memory_space<hbm>>
    %dma_wait3A_529 = arith.constant 0 : i32
    %dma_wait3A_530 = arith.constant 0 : i32
    %dma_wait3A_531 = tpu.memref_slice %arg6[%dma_wait3A_517, %dma_wait3A_529, %dma_wait3A_530] : memref<4x8x2048xf32, #tpu.memory_space<vmem>> -> memref<1x8x2048xf32, #tpu.memory_space<vmem>>
    %dma_wait3A_532 = tpu.memref_squeeze %dma_wait3A_531 : memref<1x8x2048xf32, #tpu.memory_space<vmem>> -> memref<8x2048xf32, #tpu.memory_space<vmem>>
    tpu.wait_dma2 semaphore(%dma_wait3A_526 : memref<!tpu.dma_semaphore, #tpu.memory_space<semaphore_mem>>) src(%dma_wait3A_532 : memref<8x2048xf32, #tpu.memory_space<vmem>>) dst(%dma_wait3A_528 : memref<8x2048xf32, #tpu.memory_space<hbm>>)
    return
  }
}

</mosaic_0001>

<sc_bundles>
// kernel: _emb.3.cloned.1.call-start
scs
__scs_entry_jumppad:
0x0: {  	(pc) =	sbr.rel $0x88, $3  }
0x1: {  	(tag) =	ssettag $0x0;
	lr =	simm.s32 $0x1  }
0x2: {  	[smem:$0x3F9F] =	sst lr;
	_ =	strace $0xD0000000  }
0x3: {  	_ = 	snop  }
0x4: {  	_ = 	snop  }
0x5: {  	_ = 	snop  }
0x6: {  	_ = 	snop  }
0x7: {  	_ = 	snop  }
__scs_overlays_trampoline_lowered:
0x8: {  	[smem:$0x3FAE] =	sst s0  }
0x9: {  	[smem:$0x3FAF] =	sst s1  }
0xa: {  	[smem:$0x3FB0] =	sst s2  }
0xb: {  	[smem:$0x3FB1] =	sst s3  }
0xc: {  	[smem:$0x3FB2] =	sst s4  }
0xd: {  	[smem:$0x3FB3] =	sst s5  }
0xe: {  	[smem:$0x3FB4] =	sst s6  }
0xf: {  	[smem:$0x3FB5] =	sst s7  }
0x10: {  	[smem:$0x3FB6] =	sst s8  }
0x11: {  	[smem:$0x3FB7] =	sst s9;
	s0 =	simm.s32 @!p0 $0x0  }
0x12: {  	s1 =	sld [smem:$0x3F9D];
	s0 =	simm.s32 @p0 $0x1  }
0x13: {  	[smem:$0x3FB8] =	sst s0;
	s0 =	simm.s32 @!p1 $0x0  }
0x14: {  	s2 =	sld [smem:$0x3F9C];
	s0 =	simm.s32 @p1 $0x1  }
0x15: {  	[smem:$0x3FB9] =	sst s0;
	s0 =	simm.s32 @!p2 $0x0  }
0x16: {  	s3 =	sld [smem:$0x3FDB];
	s0 =	simm.s32 @p2 $0x1  }
0x17: {  	s4 =	simm.s32 $0x1BF5;
	[smem:$0x3FBB] =	sst s0  }
0x18: {  	s0 =	sld [smem:$0x3F9E];
	_ =	swait.ge [sflag:s4], $0x0  }
0x19: {  	s7 =	sld [smem:$0x3F9F]  }
0x1a: {  	s8 =	sadd.s32 $0xFFFFE003, lr  }
0x1b: {  	s9 =	sadd.s32 $0xFFFFFEF7, lr;
	s5 =	simm.s32 $0xFFFFFFFF;
	p2 =	slt.u32 s8, $0xFFFFF086  }
0x1c: {  	p1 =	slt.u32 s9, $0xF7A;
	s5 =	simm.s32 @!p2 $0x0  }
0x1d: {  	s5 =	simm.s32 @p1 $0x1;
	p0 =	seq.s32 s7, s2  }
0x1e: {  	s7 =	smul.u32 @!p0 $0xF7A, s2;
	p2 =	seq.s32 @!p0 s5, $0x0  }
0x1f: {  	s9 =	smul.u32 $0xF7A, s1;
	s8 =	simm.s32 @!p0 $0x1BF5;
	p2 =	por !p2, p0  }
0x20: {  	[sflag:s8] =	ssyncset.s32 @!p0 $0xFFFFF086;
	s6 =	sadd.s32 @!p0 s3, s7;
	s7 =	simm.s32 @!p0 $0x108  }
0x21: {  	s3 =	sadd.s32 s3, s9;
	s6 =	sadd.s32 @!p0 $0x88, s6;
	s7 =	simm.s32 @p2 $0x1082  }
0x22: {  	[simem:s7], [sflag:s8] =	dma.local @!p0 [hbm:s6], $0xF7A  }
0x23: {  	s9 =	sor.u32 $0xD0000000, s2;
	s6 =	simm.s32 $0x108;
	_ =	swait.ge @!p0 [sflag:s8], $0x0  }
0x24: {  	s3 =	sadd.s32 $0x88, s3;
	s6 =	simm.s32 @!p1 $0x1082;
	[sflag:s4] =	ssyncset.s32 $0xFFFFF086  }
0x25: {  	[simem:s6], [sflag:s4] =	dma.local [hbm:s3], $0xF7A  }
0x26: {  	[smem:$0x3F9F] =	sst s1;
	(tag) =	ssettag s2;
	_ =	strace s9  }
0x27: {  	s1 =	sld [smem:$0x3FAF]  }
0x28: {  	s2 =	sld [smem:$0x3FB0]  }
0x29: {  	s4 =	sld [smem:$0x3FB2]  }
0x2a: {  	p0 =	seq.s32 s5, $0x0;
	s5 =	sld [smem:$0x3FB3]  }
0x2b: {  	s6 =	sld [smem:$0x3FB4]  }
0x2c: {  	s7 =	sld [smem:$0x3FB5]  }
0x2d: {  	s3 =	simm.s32 $0x108;
	s8 =	sld [smem:$0x3FB6]  }
0x2e: {  	s3 =	simm.s32 @!p0 $0x1082;
	s9 =	sld [smem:$0x3FB7]  }
0x2f: {  	lr =	sadd.s32 s0, s3;
	s0 =	sld [smem:$0x3FAE]  }
0x30: {  	s3 =	sld [smem:$0x3FB1]  }
0x31: {  	[smem:$0x3FBA] =	sst s10  }
0x32: {  	s10 =	sld [smem:$0x3FB8];
	_ =	sdelay $0x3  }
0x33: {  	p0 =	seq.s32 s10, $0x1;
	s10 =	sld [smem:$0x3FBA];
	_ =	sdelay $0x3  }
0x34: {  	[smem:$0x3FBA] =	sst s10  }
0x35: {  	s10 =	sld [smem:$0x3FB9];
	_ =	sdelay $0x3  }
0x36: {  	p1 =	seq.s32 s10, $0x1;
	s10 =	sld [smem:$0x3FBA];
	_ =	sdelay $0x3  }
0x37: {  	[smem:$0x3FBA] =	sst s10  }
0x38: {  	s10 =	sld [smem:$0x3FBB]  }
0x39: {  	_ = 	snop;
	(pc) =	sbr.ind lr, $3  }
0x3a: {  	_ = 	snop  }
0x3b: {  	_ = 	snop  }
0x3c: {  	p2 =	seq.s32 s10, $0x1;
	s10 =	sld [smem:$0x3FBA]  }
0x3d: {  	_ =	shalt  }
0x3e: {  	_ =	shalt  }
0x3f: {  	_ =	shalt  }
0x40: {  	_ =	shalt  }
0x41: {  	_ =	shalt  }
0x42: {  	_ =	shalt  }
0x43: {  	_ =	shalt  }
0x44: {  	_ =	shalt  }
0x45: {  	_ =	shalt  }
0x46: {  	_ =	shalt  }
0x47: {  	_ =	shalt  }
0x48: {  	_ =	shalt  }
0x49: {  	_ =	shalt  }
0x4a: {  	_ =	shalt  }
0x4b: {  	_ =	shalt  }
0x4c: {  	_ =	shalt  }
0x4d: {  	_ =	shalt  }
0x4e: {  	_ =	shalt  }
0x4f: {  	_ =	shalt  }
0x50: {  	_ =	shalt  }
0x51: {  	_ =	shalt  }
0x52: {  	_ =	shalt  }
0x53: {  	_ =	shalt  }
0x54: {  	_ =	shalt  }
0x55: {  	_ =	shalt  }
0x56: {  	_ =	shalt  }
0x57: {  	_ =	shalt  }
0x58: {  	_ =	shalt  }
0x59: {  	_ =	shalt  }
0x5a: {  	_ =	shalt  }
0x5b: {  	_ =	shalt  }
0x5c: {  	_ =	shalt  }
0x5d: {  	_ =	shalt  }
0x5e: {  	_ =	shalt  }
0x5f: {  	_ =	shalt  }
0x60: {  	_ =	shalt  }
0x61: {  	_ =	shalt  }
0x62: {  	_ =	shalt  }
0x63: {  	_ =	shalt  }
0x64: {  	_ =	shalt  }
0x65: {  	_ =	shalt  }
0x66: {  	_ =	shalt  }
0x67: {  	_ =	shalt  }
0x68: {  	_ =	shalt  }
0x69: {  	_ =	shalt  }
0x6a: {  	_ =	shalt  }
0x6b: {  	_ =	shalt  }
0x6c: {  	_ =	shalt  }
0x6d: {  	_ =	shalt  }
0x6e: {  	_ =	shalt  }
0x6f: {  	_ =	shalt  }
0x70: {  	_ =	shalt  }
0x71: {  	_ =	shalt  }
0x72: {  	_ =	shalt  }
0x73: {  	_ =	shalt  }
0x74: {  	_ =	shalt  }
0x75: {  	_ =	shalt  }
0x76: {  	_ =	shalt  }
0x77: {  	_ =	shalt  }
0x78: {  	_ =	shalt  }
0x79: {  	_ =	shalt  }
0x7a: {  	_ =	shalt  }
0x7b: {  	_ =	shalt  }
0x7c: {  	_ =	shalt  }
0x7d: {  	_ =	shalt  }
0x7e: {  	_ =	shalt  }
0x7f: {  	_ =	shalt  }
0x80: {  	_ =	shalt  }
0x81: {  	_ =	shalt  }
0x82: {  	_ =	shalt  }
0x83: {  	_ =	shalt  }
0x84: {  	_ =	shalt  }
0x85: {  	_ =	shalt  }
0x86: {  	_ =	shalt  }
0x87: {  	_ =	shalt  }
.Lfunc_end0:
.L_simem_size_0:
called_computation_lowered:
.L_overlay_start_0:
0x88: {  	s2 =	sld [smem:$0x3FD9]  }
0x89: {  	s3 =	sld [smem:$0x3FFE];
	_ =	sdelay $0x1  }
0x8a: {  	s1 =	srdreg.scid  }
0x8b: {  	s0 =	sand.u32 $0x1, s1  }
0x8c: {  	s18 =	sshll.u32 s0, $0xA;
	s2 =	sadd.s32 s3, s2  }
0x8d: {  	s2 =	sadd.s32 s2, s18  }
0x8e: {  	[smem:$0x3FC6] =	sst s2  }
0x8f: {  	_ = 	snop  }
0x90: {  	s2 =	sld [smem:$0x3FC9]  }
0x91: {  	s19 =	sld [smem:$0x3FC8]  }
0x92: {  	s4 =	sld [smem:$0x3FD0];
	(tm) =	ssettm $0x1  }
0x93: {  	s5 =	sld [smem:$0x3FFB];
	_ =	sdelay $0x3  }
0x94: {  	_ =	strace s5  }
0x95: {  	s5 =	sld [smem:$0x3FFC];
	_ =	sdelay $0x3  }
0x96: {  	_ =	strace s5  }
0x97: {  	s5 =	sld [smem:$0x3FFD];
	_ =	sdelay $0x3  }
0x98: {  	_ =	strace s5  }
0x99: {  	_ =	strace $0x8FFFFFFF  }
0x9a: {  	s20 =	sld [smem:$0x3FDB];
	_ =	sdelay $0x1  }
0x9b: {  	s6 =	simm.s32 $_scs_section_size  }
0x9c: {  	s7 =	simm.s32 $_size__tile_overlayer_lowered;
	s8 =	simm.s32 $_tile_overlayer_lowered  }
0x9d: {  	s23 =	simm.s32 $0x1BFF;
	s22 =	sshll.u32 s8, $0x1;
	s5 =	sadd.s32 s6, s20  }
0x9e: {  	s9 =	simm.s32 $0x0;
	s21 =	sshll.u32 s7, $0x1;
	s7 =	sadd.s32 s22, s5  }
0x9f: {  	[timem:s9], [sflag:s23] =	dma.local [hbm:s7], s21  }
0xa0: {  	_ =	swait.ge [sflag:s23], s21  }
0xa1: {  	s6 =	ssub.s32 $0x0, s21;
	[sflag:s23] =	ssyncset.done $0x0  }
0xa2: {  	[sflag:s23] =	ssyncadd.s32 s6;
	_ =	sdelay $0x1  }
0xa3: {  	s24 =	simm.s32 $0x1B8B  }
0xa4: {  	_ =	swait.ge [sflag:s24], $0x1  }
0xa5: {  	[sflag:s24] =	ssyncset.done $0x0  }
0xa6: {  	s25 =	simm.s32 $0x1B8E;
	[sflag:s24] =	ssyncadd.s32 $0xFFFFFFFF  }
0xa7: {  	s26 =	simm.s32 $execute0_lowered;
	[smem:$0x3FD2] =	sst s25  }
0xa8: {  	s6 =	sshll.u32 s26, $0x1;
	_ =	strace $0x80000046;
	[dreg:$0x1] =	wrdreg $0xFFFFFFFF  }
0xa9: {  	s28 =	simm.s32 $_size_execute0_lowered;
	s5 =	sadd.s32 s5, s6;
	[dreg:$0x0] =	wrdreg $0x0  }
0xaa: {  	s6 =	sshll.u32 s28, $0x1;
	[dreg:$0x2] =	wrdreg s5  }
0xab: {  	[dreg:$0x3] =	wrdreg s6  }
0xac: {  	[dreg:$0x4] =	wrdreg $0xC0  }
0xad: {  	_ =	task [dreg:s9], $0x5FFFF  }
0xae: {  	[dreg:$0x1] =	wrdreg $0xFFFFFFFF  }
0xaf: {  	[dreg:$0x0] =	wrdreg $0x60  }
0xb0: {  	[dreg:$0x2] =	wrdreg s2  }
0xb1: {  	[dreg:$0x3] =	wrdreg s19  }
0xb2: {  	[dreg:$0x4] =	wrdreg s4  }
0xb3: {  	[dreg:$0x5] =	wrdreg $0x9  }
0xb4: {  	_ =	task.clear_ibuf [dreg:s9], $0x6FFFF;
	_ =	strace $0x90000046  }
0xb5: {  	s29 =	simm.s32 $0x9;
	_ =	strace $0x80000048  }
0xb6: {  	_ =	swait.ge [sflag:s29], $0x1  }
0xb7: {  	[sflag:s29] =	ssyncadd.s32 $0xFFFFFFFF  }
0xb8: {  	_ =	strace $0x90000048  }
0xb9: {  	_ =	sfence  }
0xba: {  	s30 =	sld [smem:$0x0];
	_ =	sdelay $0x2  }
0xbb: {  	s31 =	sshll.u32 s1, $0xD;
	s1 =	sshrl.u32 s1, $0x2  }
0xbc: {  	s3 =	sand.u32 $0x4000, s31;
	s1 =	sadd.s32 s1, s30  }
0xbd: {  	s0 =	sor.u32 s3, s0;
	s1 =	sshll.u32 s1, $0x11  }
0xbe: {  	s0 =	sor.u32 s1, s0  }
0xbf: {  	s0 =	sadd.s32 $0x8F2B, s0  }
0xc0: {  	[sflag:s0] =	ssyncadd.remote.s32 $0x1  }
0xc1: {  	_ =	sfence.sel $0xFFFF  }
0xc2: {  	[dreg:$0x0] =	wrdreg $0xFFFFFFFF;
	(pc) =	sbr.abs _section_cstart, $3  }
0xc3: {  	[dreg:$0x1] =	wrdreg $0xFFFFFFFF  }
0xc4: {  	_ =	task.clear_ibuf [dreg:s9], $0x2FFFF;
	_ =	strace $0x9FFFFFFF  }
0xc5: {  	(tm) =	ssettm $0x7FFFFFFF  }
tec
execute0_lowered:
.L_overlay_start_1:
0x0: {  	(tag) =	ssettag $0x1  }
0x1: {  	s0 =	rddreg [dreg:$0x0]  }
0x2: {  	s1 =	rddreg [dreg:$0x1]  }
0x3: {  	s2 =	rddreg [dreg:$0x2];
	s3 =	simm.s32 $0x0;
	s4 =	srdreg.scid  }
0x4: {  	s13 =	stileid.u32;
	s30 =	simm.s32 $0xA00;
	s31 =	simm.s32 $0x1A00  }
0x5: {  	s29 =	simm.s32 $0x5200;
	s28 =	simm.s32 $0x2;
	[smem:$0x7FF] =	sst s3  }
0x6: {  	s4 =	sand.u32 $0x1, s4;
	s5 =	sshll.u32 s13, $0x1;
	s15 =	sshll.u32 s13, $0x2  }
0x7: {  	s10 =	sadd.s32 $0x600, s1;
	s12 =	sadd.s32 $0x700, s1;
	s21 =	sshll.u32 s13, $0x12  }
0x8: {  	s13 =	simm.s32 $0x3A00;
	_ =	strace $0x80000047;
	s6 =	ssub.s32 $0x2, s4  }
0x9: {  	s9 =	sor.u32 s4, s5;
	s5 =	sand.u32 $0x30, s15;
	s23 =	sshll.u32 s4, $0x11  }
0xa: {  	s4 =	simm.s32 $0x3200;
	s15 =	simm.s32 $0x3;
	s7 =	sshrl.u32 s6, $0x1  }
0xb: {  	s8 =	sshll.u32 s9, $0x8;
	s0 =	sadd.s32 s0, s5;
	s17 =	sshll.u32 s9, $0x11  }
0xc: {  	s5 =	sadd.s32 $0x100, s1;
	s16 =	sand.u32 $0x700, s8;
	s14 =	sadd.s32 s2, s17  }
0xd: {  	s9 =	sadd.s32 $0x500, s1;
	s0 =	sadd.s32 s16, s0;
	[dreg:$0x6] =	wrdreg s14  }
0xe: {  	s11 =	ssub.s32 s6, s7;
	s18 =	sadd.s32 $0x1000, s14;
	[dreg:$0x5] =	wrdreg s0  }
0xf: {  	s6 =	sadd.s32 $0x200, s1;
	s19 =	sadd.s32 $0x1800, s14;
	[dreg:$0x8] =	wrdreg s18  }
0x10: {  	s7 =	sadd.s32 $0x300, s1;
	s20 =	sadd.s32 $0x1E000, s14;
	[dreg:$0x9] =	wrdreg s19  }
0x11: {  	s8 =	sadd.s32 $0x400, s1;
	s22 =	sadd.s32 $0x1E800, s14;
	[dreg:$0xa] =	wrdreg s20  }
0x12: {  	s17 =	simm.s32 $0x1;
	s24 =	sadd.s32 $0x1F000, s14;
	[dreg:$0xb] =	wrdreg s22  }
0x13: {  	s25 =	sadd.s32 $0x1F800, s14;
	s26 =	smax.u32 s11, $0x1;
	[dreg:$0xc] =	wrdreg s24  }
0x14: {  	s16 =	simm.s32 $0x5;
	s11 =	simm.s32 $0x7;
	[dreg:$0xd] =	wrdreg s25  }
0x15: {  	s0 =	sadd.s32 $0x800, s14;
	[dreg:$0xe] =	wrdreg s26;
	s26 =	simm.s32 $0x1200  }
0x16: {  	s14 =	simm.s32 $0x4A00;
	s18 =	simm.s32 $0x5A00;
	s19 =	simm.s32 $0x4  }
0x17: {  	v0 =	vlaneseq.u32;
	s20 =	simm.s32 $0x6;
	[dreg:$0x7] =	wrdreg s0;
	s0 =	sadd.s32 s21, s2  }
0x18: {  	v1 =	vshrl.u32 v0, $0x3;
	s2 =	simm.s32 $0x2200;
	s21 =	simm.s32 $0x2A00;
	s0 =	sadd.s32 s23, s0  }
0x19: {  	vm0 =	vmmov $0xffff;
	v0 =	vand.u32 $0x7, v0;
	v1 =	vmul.u32 $0x8, v1;
	s23 =	simm.s32 $0x8;
	[dreg:$0x4] =	wrdreg s0;
	s0 =	simm.s32 $0x0  }
.LBB2_1:
0x1a: {  	[dreg:$0xf] =	wrdreg s0  }
0x1b: {  	s24 =	rddreg [dreg:$0x5]  }
0x1c: {  	s25 =	simm.s32 $0x80;
	s22 =	simm.s32 $0x200;
	s0 =	simm.s32 $0x9  }
0x1d: {  	[tilespmem:s3], [sflag:$0x9] =	stream.strided.gather [hbm4b:s24+s25], $0x200, s22, s25, $0x38;
	[tilespmem:$0x10200] =	vst v63  }
0x1e: {  	_ =	swait.ge [sflag:s0], $0x200  }
0x1f: {  	[sflag:s0] =	ssyncset.done $0x0  }
0x20: {  	[sflag:s0] =	ssyncadd.s32 $0xFFFFFE00  }
0x21: {  	v2 =	vld.msk [tilespmem:$0x0], $0xff;
	_ =	sdelay $0x4  }
0x22: {  	v3 =	vshll.u32 v2, $0x4  }
0x23: {  	v2 =	vand.u32 $0x7, v2;
	v3 =	vand.u32 $0xFFFFFF80, v3  }
0x24: {  	v2 =	vor.u32 v2, v3  }
0x25: {  	v2 =	vperm.xlane v2, v0;
	_ =	sdelay $0x1  }
0x26: {  	v2 =	vadd.s32 v1, v2;
	_ =	sdelay $0x4  }
0x27: {  	[tilespmem:s22], [sflag:$0x1] =	stream.indirect_vreg.gather [hbm4b:s1+s3], $0x80, v2, vm0, $0xb8;
	[tilespmem:$0x10200] =	vst v63  }
0x28: {  	_ = 	snop  }
0x29: {  	[tilespmem:s30], [sflag:$0x1] =	stream.indirect_vreg.gather [hbm4b:s5+s3], $0x80, v2, vm0, $0xb8;
	[tilespmem:$0x10200] =	vst v63  }
0x2a: {  	_ = 	snop  }
0x2b: {  	[tilespmem:s26], [sflag:$0x1] =	stream.indirect_vreg.gather [hbm4b:s6+s3], $0x80, v2, vm0, $0xb8;
	[tilespmem:$0x10200] =	vst v63  }
0x2c: {  	_ = 	snop  }
0x2d: {  	[tilespmem:s31], [sflag:$0x1] =	stream.indirect_vreg.gather [hbm4b:s7+s3], $0x80, v2, vm0, $0xb8;
	[tilespmem:$0x10200] =	vst v63  }
0x2e: {  	_ = 	snop  }
0x2f: {  	[tilespmem:s2], [sflag:$0x1] =	stream.indirect_vreg.gather [hbm4b:s8+s3], $0x80, v2, vm0, $0xb8;
	[tilespmem:$0x10200] =	vst v63  }
0x30: {  	_ = 	snop  }
0x31: {  	[tilespmem:s21], [sflag:$0x1] =	stream.indirect_vreg.gather [hbm4b:s9+s3], $0x80, v2, vm0, $0xb8;
	[tilespmem:$0x10200] =	vst v63  }
0x32: {  	_ = 	snop  }
0x33: {  	[tilespmem:s4], [sflag:$0x1] =	stream.indirect_vreg.gather [hbm4b:s10+s3], $0x80, v2, vm0, $0xb8;
	[tilespmem:$0x10200] =	vst v63  }
0x34: {  	_ = 	snop  }
0x35: {  	[tilespmem:s13], [sflag:$0x1] =	stream.indirect_vreg.gather [hbm4b:s12+s3], $0x80, v2, vm0, $0xb8;
	[tilespmem:$0x10200] =	vst v63  }
0x36: {  	v2 =	vld.msk [tilespmem:$0x8], $0xff;
	_ =	sdelay $0x4  }
0x37: {  	v3 =	vshll.u32 v2, $0x4  }
0x38: {  	v2 =	vand.u32 $0x7, v2;
	v3 =	vand.u32 $0xFFFFFF80, v3  }
0x39: {  	v2 =	vor.u32 v2, v3  }
0x3a: {  	v2 =	vperm.xlane v2, v0;
	_ =	sdelay $0x1  }
0x3b: {  	v2 =	vadd.s32 v1, v2;
	_ =	sdelay $0x3  }
0x3c: {  	s24 =	simm.s32 $0x4200  }
0x3d: {  	[tilespmem:s24], [sflag:$0x2] =	stream.indirect_vreg.gather [hbm4b:s1+s3], $0x80, v2, vm0, $0xb8;
	[tilespmem:$0x10200] =	vst v63  }
0x3e: {  	_ = 	snop  }
0x3f: {  	[tilespmem:s14], [sflag:$0x2] =	stream.indirect_vreg.gather [hbm4b:s5+s3], $0x80, v2, vm0, $0xb8;
	[tilespmem:$0x10200] =	vst v63  }
0x40: {  	_ = 	snop  }
0x41: {  	[tilespmem:s29], [sflag:$0x2] =	stream.indirect_vreg.gather [hbm4b:s6+s3], $0x80, v2, vm0, $0xb8;
	[tilespmem:$0x10200] =	vst v63  }
0x42: {  	_ = 	snop  }
0x43: {  	[tilespmem:s18], [sflag:$0x2] =	stream.indirect_vreg.gather [hbm4b:s7+s3], $0x80, v2, vm0, $0xb8;
	[tilespmem:$0x10200] =	vst v63  }
0x44: {  	s25 =	simm.s32 $0x6200  }
0x45: {  	[tilespmem:s25], [sflag:$0x2] =	stream.indirect_vreg.gather [hbm4b:s8+s3], $0x80, v2, vm0, $0xb8;
	[tilespmem:$0x10200] =	vst v63  }
0x46: {  	s24 =	simm.s32 $0x6A00  }
0x47: {  	[tilespmem:s24], [sflag:$0x2] =	stream.indirect_vreg.gather [hbm4b:s9+s3], $0x80, v2, vm0, $0xb8;
	[tilespmem:$0x10200] =	vst v63  }
0x48: {  	s25 =	simm.s32 $0x7200  }
0x49: {  	[tilespmem:s25], [sflag:$0x2] =	stream.indirect_vreg.gather [hbm4b:s10+s3], $0x80, v2, vm0, $0xb8;
	[tilespmem:$0x10200] =	vst v63  }
0x4a: {  	s24 =	simm.s32 $0x7A00  }
0x4b: {  	[tilespmem:s24], [sflag:$0x2] =	stream.indirect_vreg.gather [hbm4b:s12+s3], $0x80, v2, vm0, $0xb8;
	[tilespmem:$0x10200] =	vst v63  }
0x4c: {  	_ =	swait.ge [sflag:s17], $0x4000  }
0x4d: {  	[sflag:s17] =	ssyncset.done $0x0  }
0x4e: {  	s25 =	rddreg [dreg:$0x6];
	[sflag:s17] =	ssyncadd.s32 $0xFFFFC000  }
0x4f: {  	[hbm4b:s25+s3] =	stream.linear.scatter [tilespmem:s22], [sflag:$0x5], $0x4000, $0x38;
	[tilespmem:$0x10200] =	vst v63  }
0x50: {  	v2 =	vld.msk [tilespmem:$0x10], $0xff;
	_ =	sdelay $0x4  }
0x51: {  	v3 =	vshll.u32 v2, $0x4  }
0x52: {  	v2 =	vand.u32 $0x7, v2;
	v3 =	vand.u32 $0xFFFFFF80, v3  }
0x53: {  	v2 =	vor.u32 v2, v3  }
0x54: {  	v2 =	vperm.xlane v2, v0;
	_ =	sdelay $0x1  }
0x55: {  	v2 =	vadd.s32 v1, v2;
	_ =	sdelay $0x3  }
0x56: {  	s25 =	simm.s32 $0x8200  }
0x57: {  	[tilespmem:s25], [sflag:$0x3] =	stream.indirect_vreg.gather [hbm4b:s1+s3], $0x80, v2, vm0, $0xb8;
	[tilespmem:$0x10200] =	vst v63  }
0x58: {  	s0 =	simm.s32 $0x8A00  }
0x59: {  	[tilespmem:s0], [sflag:$0x3] =	stream.indirect_vreg.gather [hbm4b:s5+s3], $0x80, v2, vm0, $0xb8;
	[tilespmem:$0x10200] =	vst v63  }
0x5a: {  	s0 =	simm.s32 $0x9200  }
0x5b: {  	[tilespmem:s0], [sflag:$0x3] =	stream.indirect_vreg.gather [hbm4b:s6+s3], $0x80, v2, vm0, $0xb8;
	[tilespmem:$0x10200] =	vst v63  }
0x5c: {  	s0 =	simm.s32 $0x9A00  }
0x5d: {  	[tilespmem:s0], [sflag:$0x3] =	stream.indirect_vreg.gather [hbm4b:s7+s3], $0x80, v2, vm0, $0xb8;
	[tilespmem:$0x10200] =	vst v63  }
0x5e: {  	s0 =	simm.s32 $0xA200  }
0x5f: {  	[tilespmem:s0], [sflag:$0x3] =	stream.indirect_vreg.gather [hbm4b:s8+s3], $0x80, v2, vm0, $0xb8;
	[tilespmem:$0x10200] =	vst v63  }
0x60: {  	s0 =	simm.s32 $0xAA00  }
0x61: {  	[tilespmem:s0], [sflag:$0x3] =	stream.indirect_vreg.gather [hbm4b:s9+s3], $0x80, v2, vm0, $0xb8;
	[tilespmem:$0x10200] =	vst v63  }
0x62: {  	s0 =	simm.s32 $0xB200  }
0x63: {  	[tilespmem:s0], [sflag:$0x3] =	stream.indirect_vreg.gather [hbm4b:s10+s3], $0x80, v2, vm0, $0xb8;
	[tilespmem:$0x10200] =	vst v63  }
0x64: {  	s0 =	simm.s32 $0xBA00  }
0x65: {  	[tilespmem:s0], [sflag:$0x3] =	stream.indirect_vreg.gather [hbm4b:s12+s3], $0x80, v2, vm0, $0xb8;
	[tilespmem:$0x10200] =	vst v63  }
0x66: {  	_ =	swait.ge [sflag:s28], $0x4000  }
0x67: {  	[sflag:s28] =	ssyncset.done $0x0  }
0x68: {  	s0 =	simm.s32 $0x4200;
	s24 =	rddreg [dreg:$0x7];
	[sflag:s28] =	ssyncadd.s32 $0xFFFFC000  }
0x69: {  	[hbm4b:s24+s3] =	stream.linear.scatter [tilespmem:s0], [sflag:$0x6], $0x4000, $0x38;
	[tilespmem:$0x10200] =	vst v63  }
0x6a: {  	v2 =	vld.msk [tilespmem:$0x18], $0xff;
	_ =	sdelay $0x4  }
0x6b: {  	v3 =	vshll.u32 v2, $0x4  }
0x6c: {  	v2 =	vand.u32 $0x7, v2;
	v3 =	vand.u32 $0xFFFFFF80, v3  }
0x6d: {  	v2 =	vor.u32 v2, v3  }
0x6e: {  	v2 =	vperm.xlane v2, v0;
	_ =	sdelay $0x1  }
0x6f: {  	v2 =	vadd.s32 v1, v2;
	_ =	sdelay $0x3  }
0x70: {  	s0 =	simm.s32 $0xC200  }
0x71: {  	[tilespmem:s0], [sflag:$0x4] =	stream.indirect_vreg.gather [hbm4b:s1+s3], $0x80, v2, vm0, $0xb8;
	[tilespmem:$0x10200] =	vst v63  }
0x72: {  	s24 =	simm.s32 $0xCA00  }
0x73: {  	[tilespmem:s24], [sflag:$0x4] =	stream.indirect_vreg.gather [hbm4b:s5+s3], $0x80, v2, vm0, $0xb8;
	[tilespmem:$0x10200] =	vst v63  }
0x74: {  	s24 =	simm.s32 $0xD200  }
0x75: {  	[tilespmem:s24], [sflag:$0x4] =	stream.indirect_vreg.gather [hbm4b:s6+s3], $0x80, v2, vm0, $0xb8;
	[tilespmem:$0x10200] =	vst v63  }
0x76: {  	s24 =	simm.s32 $0xDA00  }
0x77: {  	[tilespmem:s24], [sflag:$0x4] =	stream.indirect_vreg.gather [hbm4b:s7+s3], $0x80, v2, vm0, $0xb8;
	[tilespmem:$0x10200] =	vst v63  }
0x78: {  	s24 =	simm.s32 $0xE200  }
0x79: {  	[tilespmem:s24], [sflag:$0x4] =	stream.indirect_vreg.gather [hbm4b:s8+s3], $0x80, v2, vm0, $0xb8;
	[tilespmem:$0x10200] =	vst v63  }
0x7a: {  	s24 =	simm.s32 $0xEA00  }
0x7b: {  	[tilespmem:s24], [sflag:$0x4] =	stream.indirect_vreg.gather [hbm4b:s9+s3], $0x80, v2, vm0, $0xb8;
	[tilespmem:$0x10200] =	vst v63  }
0x7c: {  	s24 =	simm.s32 $0xF200  }
0x7d: {  	[tilespmem:s24], [sflag:$0x4] =	stream.indirect_vreg.gather [hbm4b:s10+s3], $0x80, v2, vm0, $0xb8;
	[tilespmem:$0x10200] =	vst v63  }
0x7e: {  	s24 =	simm.s32 $0xFA00  }
0x7f: {  	[tilespmem:s24], [sflag:$0x4] =	stream.indirect_vreg.gather [hbm4b:s12+s3], $0x80, v2, vm0, $0xb8;
	[tilespmem:$0x10200] =	vst v63  }
0x80: {  	_ =	swait.ge [sflag:s15], $0x4000  }
0x81: {  	[sflag:s15] =	ssyncset.done $0x0  }
0x82: {  	s24 =	rddreg [dreg:$0x8];
	[sflag:s15] =	ssyncadd.s32 $0xFFFFC000  }
0x83: {  	[hbm4b:s24+s3] =	stream.linear.scatter [tilespmem:s25], [sflag:$0x7], $0x4000, $0x38;
	[tilespmem:$0x10200] =	vst v63  }
0x84: {  	_ =	swait.ge [sflag:s16], $0x4000  }
0x85: {  	[sflag:s16] =	ssyncset.done $0x0  }
0x86: {  	[sflag:s16] =	ssyncadd.s32 $0xFFFFC000  }
0x87: {  	v2 =	vld.msk [tilespmem:$0x20], $0xff;
	_ =	sdelay $0x4  }
0x88: {  	v3 =	vshll.u32 v2, $0x4  }
0x89: {  	v2 =	vand.u32 $0x7, v2;
	v3 =	vand.u32 $0xFFFFFF80, v3  }
0x8a: {  	v2 =	vor.u32 v2, v3  }
0x8b: {  	v2 =	vperm.xlane v2, v0;
	_ =	sdelay $0x1  }
0x8c: {  	v2 =	vadd.s32 v1, v2;
	_ =	sdelay $0x4  }
0x8d: {  	[tilespmem:s22], [sflag:$0x1] =	stream.indirect_vreg.gather [hbm4b:s1+s3], $0x80, v2, vm0, $0xb8;
	[tilespmem:$0x10200] =	vst v63  }
0x8e: {  	_ = 	snop  }
0x8f: {  	[tilespmem:s30], [sflag:$0x1] =	stream.indirect_vreg.gather [hbm4b:s5+s3], $0x80, v2, vm0, $0xb8;
	[tilespmem:$0x10200] =	vst v63  }
0x90: {  	_ = 	snop  }
0x91: {  	[tilespmem:s26], [sflag:$0x1] =	stream.indirect_vreg.gather [hbm4b:s6+s3], $0x80, v2, vm0, $0xb8;
	[tilespmem:$0x10200] =	vst v63  }
0x92: {  	_ = 	snop  }
0x93: {  	[tilespmem:s31], [sflag:$0x1] =	stream.indirect_vreg.gather [hbm4b:s7+s3], $0x80, v2, vm0, $0xb8;
	[tilespmem:$0x10200] =	vst v63  }
0x94: {  	_ = 	snop  }
0x95: {  	[tilespmem:s2], [sflag:$0x1] =	stream.indirect_vreg.gather [hbm4b:s8+s3], $0x80, v2, vm0, $0xb8;
	[tilespmem:$0x10200] =	vst v63  }
0x96: {  	_ = 	snop  }
0x97: {  	[tilespmem:s21], [sflag:$0x1] =	stream.indirect_vreg.gather [hbm4b:s9+s3], $0x80, v2, vm0, $0xb8;
	[tilespmem:$0x10200] =	vst v63  }
0x98: {  	_ = 	snop  }
0x99: {  	[tilespmem:s4], [sflag:$0x1] =	stream.indirect_vreg.gather [hbm4b:s10+s3], $0x80, v2, vm0, $0xb8;
	[tilespmem:$0x10200] =	vst v63  }
0x9a: {  	_ = 	snop  }
0x9b: {  	[tilespmem:s13], [sflag:$0x1] =	stream.indirect_vreg.gather [hbm4b:s12+s3], $0x80, v2, vm0, $0xb8;
	[tilespmem:$0x10200] =	vst v63  }
0x9c: {  	_ =	swait.ge [sflag:s19], $0x4000  }
0x9d: {  	[sflag:s19] =	ssyncset.done $0x0  }
0x9e: {  	s22 =	rddreg [dreg:$0x9];
	[sflag:s19] =	ssyncadd.s32 $0xFFFFC000  }
0x9f: {  	[hbm4b:s22+s3] =	stream.linear.scatter [tilespmem:s0], [sflag:$0x8], $0x4000, $0x38;
	[tilespmem:$0x10200] =	vst v63  }
0xa0: {  	_ =	swait.ge [sflag:s20], $0x4000  }
0xa1: {  	[sflag:s20] =	ssyncset.done $0x0  }
0xa2: {  	[sflag:s20] =	ssyncadd.s32 $0xFFFFC000  }
0xa3: {  	v2 =	vld.msk [tilespmem:$0x28], $0xff;
	_ =	sdelay $0x4  }
0xa4: {  	v3 =	vshll.u32 v2, $0x4  }
0xa5: {  	v2 =	vand.u32 $0x7, v2;
	v3 =	vand.u32 $0xFFFFFF80, v3  }
0xa6: {  	v2 =	vor.u32 v2, v3  }
0xa7: {  	v2 =	vperm.xlane v2, v0;
	_ =	sdelay $0x1  }
0xa8: {  	v2 =	vadd.s32 v1, v2;
	_ =	sdelay $0x3  }
0xa9: {  	s24 =	simm.s32 $0x4200  }
0xaa: {  	[tilespmem:s24], [sflag:$0x2] =	stream.indirect_vreg.gather [hbm4b:s1+s3], $0x80, v2, vm0, $0xb8;
	[tilespmem:$0x10200] =	vst v63  }
0xab: {  	_ = 	snop  }
0xac: {  	[tilespmem:s14], [sflag:$0x2] =	stream.indirect_vreg.gather [hbm4b:s5+s3], $0x80, v2, vm0, $0xb8;
	[tilespmem:$0x10200] =	vst v63  }
0xad: {  	_ = 	snop  }
0xae: {  	[tilespmem:s29], [sflag:$0x2] =	stream.indirect_vreg.gather [hbm4b:s6+s3], $0x80, v2, vm0, $0xb8;
	[tilespmem:$0x10200] =	vst v63  }
0xaf: {  	_ = 	snop  }
0xb0: {  	[tilespmem:s18], [sflag:$0x2] =	stream.indirect_vreg.gather [hbm4b:s7+s3], $0x80, v2, vm0, $0xb8;
	[tilespmem:$0x10200] =	vst v63  }
0xb1: {  	s25 =	simm.s32 $0x6200;
	s30 =	simm.s32 $0x7A00;
	s26 =	simm.s32 $0x6A00  }
0xb2: {  	[tilespmem:s25], [sflag:$0x2] =	stream.indirect_vreg.gather [hbm4b:s8+s3], $0x80, v2, vm0, $0xb8;
	[tilespmem:$0x10200] =	vst v63  }
0xb3: {  	s31 =	simm.s32 $0x1200;
	s2 =	simm.s32 $0x5A00;
	s21 =	simm.s32 $0x2200  }
0xb4: {  	[tilespmem:s26], [sflag:$0x2] =	stream.indirect_vreg.gather [hbm4b:s9+s3], $0x80, v2, vm0, $0xb8;
	[tilespmem:$0x10200] =	vst v63  }
0xb5: {  	s13 =	simm.s32 $0x3200;
	s22 =	simm.s32 $0x4A00;
	s29 =	simm.s32 $0x7200  }
0xb6: {  	[tilespmem:s29], [sflag:$0x2] =	stream.indirect_vreg.gather [hbm4b:s10+s3], $0x80, v2, vm0, $0xb8;
	[tilespmem:$0x10200] =	vst v63  }
0xb7: {  	s24 =	simm.s32 $0x48;
	s14 =	simm.s32 $0x3A00;
	s25 =	simm.s32 $0x0  }
0xb8: {  	[tilespmem:s30], [sflag:$0x2] =	stream.indirect_vreg.gather [hbm4b:s12+s3], $0x80, v2, vm0, $0xb8;
	[tilespmem:$0x10200] =	vst v63  }
.LBB2_2:
0xb9: {  	_ =	swait.ge [sflag:s17], $0x4000  }
0xba: {  	s26 =	rddreg [dreg:$0x4]  }
0xbb: {  	[sflag:s17] =	ssyncset.done $0x0;
	s26 =	sadd.s32 s25, s26  }
0xbc: {  	s18 =	simm.s32 $0x200;
	[sflag:s17] =	ssyncadd.s32 $0xFFFFC000;
	s30 =	sadd.s32 $0x2000, s26  }
0xbd: {  	[hbm4b:s30+s3] =	stream.linear.scatter [tilespmem:s18], [sflag:$0x5], $0x4000, $0x38;
	[tilespmem:$0x10200] =	vst v63  }
0xbe: {  	_ =	swait.ge [sflag:s11], $0x4000  }
0xbf: {  	[sflag:s11] =	ssyncset.done $0x0  }
0xc0: {  	[sflag:s11] =	ssyncadd.s32 $0xFFFFC000  }
0xc1: {  	v2 =	vld.msk [tilespmem:s24+$0xFFFFFFE8], $0xff;
	_ =	sdelay $0x4  }
0xc2: {  	v3 =	vshll.u32 v2, $0x4  }
0xc3: {  	v2 =	vand.u32 $0x7, v2;
	v3 =	vand.u32 $0xFFFFFF80, v3  }
0xc4: {  	v2 =	vor.u32 v2, v3  }
0xc5: {  	v2 =	vperm.xlane v2, v0;
	_ =	sdelay $0x1  }
0xc6: {  	v2 =	vadd.s32 v1, v2;
	_ =	sdelay $0x3  }
0xc7: {  	s0 =	simm.s32 $0x8200  }
0xc8: {  	[tilespmem:s0], [sflag:$0x3] =	stream.indirect_vreg.gather [hbm4b:s1+s3], $0x80, v2, vm0, $0xb8;
	[tilespmem:$0x10200] =	vst v63  }
0xc9: {  	s29 =	simm.s32 $0x8A00  }
0xca: {  	[tilespmem:s29], [sflag:$0x3] =	stream.indirect_vreg.gather [hbm4b:s5+s3], $0x80, v2, vm0, $0xb8;
	[tilespmem:$0x10200] =	vst v63  }
0xcb: {  	s29 =	simm.s32 $0x9200  }
0xcc: {  	[tilespmem:s29], [sflag:$0x3] =	stream.indirect_vreg.gather [hbm4b:s6+s3], $0x80, v2, vm0, $0xb8;
	[tilespmem:$0x10200] =	vst v63  }
0xcd: {  	s29 =	simm.s32 $0x9A00  }
0xce: {  	[tilespmem:s29], [sflag:$0x3] =	stream.indirect_vreg.gather [hbm4b:s7+s3], $0x80, v2, vm0, $0xb8;
	[tilespmem:$0x10200] =	vst v63  }
0xcf: {  	s29 =	simm.s32 $0xA200  }
0xd0: {  	[tilespmem:s29], [sflag:$0x3] =	stream.indirect_vreg.gather [hbm4b:s8+s3], $0x80, v2, vm0, $0xb8;
	[tilespmem:$0x10200] =	vst v63  }
0xd1: {  	s29 =	simm.s32 $0xAA00  }
0xd2: {  	[tilespmem:s29], [sflag:$0x3] =	stream.indirect_vreg.gather [hbm4b:s9+s3], $0x80, v2, vm0, $0xb8;
	[tilespmem:$0x10200] =	vst v63  }
0xd3: {  	s29 =	simm.s32 $0xB200  }
0xd4: {  	[tilespmem:s29], [sflag:$0x3] =	stream.indirect_vreg.gather [hbm4b:s10+s3], $0x80, v2, vm0, $0xb8;
	[tilespmem:$0x10200] =	vst v63  }
0xd5: {  	s29 =	simm.s32 $0xBA00  }
0xd6: {  	[tilespmem:s29], [sflag:$0x3] =	stream.indirect_vreg.gather [hbm4b:s12+s3], $0x80, v2, vm0, $0xb8;
	[tilespmem:$0x10200] =	vst v63  }
0xd7: {  	_ =	swait.ge [sflag:s28], $0x4000  }
0xd8: {  	[sflag:s28] =	ssyncset.done $0x0  }
0xd9: {  	s30 =	sadd.s32 $0x2800, s26;
	s29 =	simm.s32 $0x4200;
	[sflag:s28] =	ssyncadd.s32 $0xFFFFC000  }
0xda: {  	[hbm4b:s30+s3] =	stream.linear.scatter [tilespmem:s29], [sflag:$0x6], $0x4000, $0x38;
	[tilespmem:$0x10200] =	vst v63  }
0xdb: {  	_ =	swait.ge [sflag:s23], $0x4000  }
0xdc: {  	[sflag:s23] =	ssyncset.done $0x0  }
0xdd: {  	[sflag:s23] =	ssyncadd.s32 $0xFFFFC000  }
0xde: {  	v2 =	vld.msk [tilespmem:s24+$0xFFFFFFF0], $0xff;
	_ =	sdelay $0x4  }
0xdf: {  	v3 =	vshll.u32 v2, $0x4  }
0xe0: {  	v2 =	vand.u32 $0x7, v2;
	v3 =	vand.u32 $0xFFFFFF80, v3  }
0xe1: {  	v2 =	vor.u32 v2, v3  }
0xe2: {  	v2 =	vperm.xlane v2, v0;
	_ =	sdelay $0x1  }
0xe3: {  	v2 =	vadd.s32 v1, v2;
	_ =	sdelay $0x3  }
0xe4: {  	s4 =	simm.s32 $0xC200  }
0xe5: {  	[tilespmem:s4], [sflag:$0x4] =	stream.indirect_vreg.gather [hbm4b:s1+s3], $0x80, v2, vm0, $0xb8;
	[tilespmem:$0x10200] =	vst v63  }
0xe6: {  	s30 =	simm.s32 $0xCA00  }
0xe7: {  	[tilespmem:s30], [sflag:$0x4] =	stream.indirect_vreg.gather [hbm4b:s5+s3], $0x80, v2, vm0, $0xb8;
	[tilespmem:$0x10200] =	vst v63  }
0xe8: {  	s30 =	simm.s32 $0xD200  }
0xe9: {  	[tilespmem:s30], [sflag:$0x4] =	stream.indirect_vreg.gather [hbm4b:s6+s3], $0x80, v2, vm0, $0xb8;
	[tilespmem:$0x10200] =	vst v63  }
0xea: {  	s30 =	simm.s32 $0xDA00  }
0xeb: {  	[tilespmem:s30], [sflag:$0x4] =	stream.indirect_vreg.gather [hbm4b:s7+s3], $0x80, v2, vm0, $0xb8;
	[tilespmem:$0x10200] =	vst v63  }
0xec: {  	s30 =	simm.s32 $0xE200  }
0xed: {  	[tilespmem:s30], [sflag:$0x4] =	stream.indirect_vreg.gather [hbm4b:s8+s3], $0x80, v2, vm0, $0xb8;
	[tilespmem:$0x10200] =	vst v63  }
0xee: {  	s30 =	simm.s32 $0xEA00  }
0xef: {  	[tilespmem:s30], [sflag:$0x4] =	stream.indirect_vreg.gather [hbm4b:s9+s3], $0x80, v2, vm0, $0xb8;
	[tilespmem:$0x10200] =	vst v63  }
0xf0: {  	s30 =	simm.s32 $0xF200  }
0xf1: {  	[tilespmem:s30], [sflag:$0x4] =	stream.indirect_vreg.gather [hbm4b:s10+s3], $0x80, v2, vm0, $0xb8;
	[tilespmem:$0x10200] =	vst v63  }
0xf2: {  	s30 =	simm.s32 $0xFA00  }
0xf3: {  	[tilespmem:s30], [sflag:$0x4] =	stream.indirect_vreg.gather [hbm4b:s12+s3], $0x80, v2, vm0, $0xb8;
	[tilespmem:$0x10200] =	vst v63  }
0xf4: {  	_ =	swait.ge [sflag:s15], $0x4000  }
0xf5: {  	[sflag:s15] =	ssyncset.done $0x0  }
0xf6: {  	s30 =	sadd.s32 $0x3000, s26;
	[sflag:s15] =	ssyncadd.s32 $0xFFFFC000  }
0xf7: {  	[hbm4b:s30+s3] =	stream.linear.scatter [tilespmem:s0], [sflag:$0x7], $0x4000, $0x38;
	[tilespmem:$0x10200] =	vst v63  }
0xf8: {  	_ =	swait.ge [sflag:s16], $0x4000  }
0xf9: {  	[sflag:s16] =	ssyncset.done $0x0  }
0xfa: {  	[sflag:s16] =	ssyncadd.s32 $0xFFFFC000  }
0xfb: {  	v2 =	vld.msk [tilespmem:s24+$0xFFFFFFF8], $0xff;
	_ =	sdelay $0x4  }
0xfc: {  	v3 =	vshll.u32 v2, $0x4  }
0xfd: {  	v2 =	vand.u32 $0x7, v2;
	v3 =	vand.u32 $0xFFFFFF80, v3  }
0xfe: {  	v2 =	vor.u32 v2, v3  }
0xff: {  	v2 =	vperm.xlane v2, v0;
	_ =	sdelay $0x1  }
0x100: {  	v2 =	vadd.s32 v1, v2;
	_ =	sdelay $0x4  }
0x101: {  	[tilespmem:s18], [sflag:$0x1] =	stream.indirect_vreg.gather [hbm4b:s1+s3], $0x80, v2, vm0, $0xb8;
	[tilespmem:$0x10200] =	vst v63  }
0x102: {  	s30 =	simm.s32 $0xA00  }
0x103: {  	[tilespmem:s30], [sflag:$0x1] =	stream.indirect_vreg.gather [hbm4b:s5+s3], $0x80, v2, vm0, $0xb8;
	[tilespmem:$0x10200] =	vst v63  }
0x104: {  	_ = 	snop  }
0x105: {  	[tilespmem:s31], [sflag:$0x1] =	stream.indirect_vreg.gather [hbm4b:s6+s3], $0x80, v2, vm0, $0xb8;
	[tilespmem:$0x10200] =	vst v63  }
0x106: {  	s18 =	simm.s32 $0x1A00  }
0x107: {  	[tilespmem:s18], [sflag:$0x1] =	stream.indirect_vreg.gather [hbm4b:s7+s3], $0x80, v2, vm0, $0xb8;
	[tilespmem:$0x10200] =	vst v63  }
0x108: {  	_ = 	snop  }
0x109: {  	[tilespmem:s21], [sflag:$0x1] =	stream.indirect_vreg.gather [hbm4b:s8+s3], $0x80, v2, vm0, $0xb8;
	[tilespmem:$0x10200] =	vst v63  }
0x10a: {  	s18 =	simm.s32 $0x2A00  }
0x10b: {  	[tilespmem:s18], [sflag:$0x1] =	stream.indirect_vreg.gather [hbm4b:s9+s3], $0x80, v2, vm0, $0xb8;
	[tilespmem:$0x10200] =	vst v63  }
0x10c: {  	_ = 	snop  }
0x10d: {  	[tilespmem:s13], [sflag:$0x1] =	stream.indirect_vreg.gather [hbm4b:s10+s3], $0x80, v2, vm0, $0xb8;
	[tilespmem:$0x10200] =	vst v63  }
0x10e: {  	_ = 	snop  }
0x10f: {  	[tilespmem:s14], [sflag:$0x1] =	stream.indirect_vreg.gather [hbm4b:s12+s3], $0x80, v2, vm0, $0xb8;
	[tilespmem:$0x10200] =	vst v63  }
0x110: {  	_ =	swait.ge [sflag:s19], $0x4000  }
0x111: {  	[sflag:s19] =	ssyncset.done $0x0  }
0x112: {  	s26 =	sadd.s32 $0x3800, s26;
	[sflag:s19] =	ssyncadd.s32 $0xFFFFC000  }
0x113: {  	[hbm4b:s26+s3] =	stream.linear.scatter [tilespmem:s4], [sflag:$0x8], $0x4000, $0x38;
	[tilespmem:$0x10200] =	vst v63  }
0x114: {  	_ =	swait.ge [sflag:s20], $0x4000  }
0x115: {  	[sflag:s20] =	ssyncset.done $0x0  }
0x116: {  	[sflag:s20] =	ssyncadd.s32 $0xFFFFC000  }
0x117: {  	v2 =	vld.msk [tilespmem:s24+$0x0], $0xff;
	_ =	sdelay $0x4  }
0x118: {  	v3 =	vshll.u32 v2, $0x4  }
0x119: {  	v2 =	vand.u32 $0x7, v2;
	v3 =	vand.u32 $0xFFFFFF80, v3  }
0x11a: {  	v2 =	vor.u32 v2, v3  }
0x11b: {  	v2 =	vperm.xlane v2, v0;
	_ =	sdelay $0x1  }
0x11c: {  	v2 =	vadd.s32 v1, v2;
	_ =	sdelay $0x4  }
0x11d: {  	[tilespmem:s29], [sflag:$0x2] =	stream.indirect_vreg.gather [hbm4b:s1+s3], $0x80, v2, vm0, $0xb8;
	[tilespmem:$0x10200] =	vst v63  }
0x11e: {  	_ = 	snop  }
0x11f: {  	[tilespmem:s22], [sflag:$0x2] =	stream.indirect_vreg.gather [hbm4b:s5+s3], $0x80, v2, vm0, $0xb8;
	[tilespmem:$0x10200] =	vst v63  }
0x120: {  	s29 =	simm.s32 $0x5200  }
0x121: {  	[tilespmem:s29], [sflag:$0x2] =	stream.indirect_vreg.gather [hbm4b:s6+s3], $0x80, v2, vm0, $0xb8;
	[tilespmem:$0x10200] =	vst v63  }
0x122: {  	_ = 	snop  }
0x123: {  	[tilespmem:s2], [sflag:$0x2] =	stream.indirect_vreg.gather [hbm4b:s7+s3], $0x80, v2, vm0, $0xb8;
	[tilespmem:$0x10200] =	vst v63  }
0x124: {  	s26 =	simm.s32 $0x6200  }
0x125: {  	[tilespmem:s26], [sflag:$0x2] =	stream.indirect_vreg.gather [hbm4b:s8+s3], $0x80, v2, vm0, $0xb8;
	[tilespmem:$0x10200] =	vst v63  }
0x126: {  	p0 =	sne.s32 s25, $0x1A000;
	s26 =	simm.s32 $0x6A00  }
0x127: {  	[tilespmem:s26], [sflag:$0x2] =	stream.indirect_vreg.gather [hbm4b:s9+s3], $0x80, v2, vm0, $0xb8;
	[tilespmem:$0x10200] =	vst v63  }
.Ltmp0:
0x128: {  	_ = 	snop;
	(pc) =	sbr.rel @p0 .LBB2_2-.Ltmp0, $4  }
0x129: {  	s25 =	sadd.s32 $0x2000, s25;
	s0 =	simm.s32 $0x200;
	s26 =	simm.s32 $0x7200  }
0x12a: {  	[tilespmem:s26], [sflag:$0x2] =	stream.indirect_vreg.gather [hbm4b:s10+s3], $0x80, v2, vm0, $0xb8;
	[tilespmem:$0x10200] =	vst v63  }
0x12b: {  	s18 =	simm.s32 $0x4200;
	s24 =	sadd.s32 $0x20, s24;
	s26 =	simm.s32 $0x7A00  }
0x12c: {  	[tilespmem:s26], [sflag:$0x2] =	stream.indirect_vreg.gather [hbm4b:s12+s3], $0x80, v2, vm0, $0xb8;
	[tilespmem:$0x10200] =	vst v63  }
0x12d: {  	_ =	swait.ge [sflag:s17], $0x4000  }
0x12e: {  	[sflag:s17] =	ssyncset.done $0x0  }
0x12f: {  	s24 =	rddreg [dreg:$0xa];
	[sflag:s17] =	ssyncadd.s32 $0xFFFFC000  }
0x130: {  	[hbm4b:s24+s3] =	stream.linear.scatter [tilespmem:s0], [sflag:$0x5], $0x4000, $0x38;
	[tilespmem:$0x10200] =	vst v63  }
0x131: {  	_ =	swait.ge [sflag:s11], $0x4000  }
0x132: {  	[sflag:s11] =	ssyncset.done $0x0  }
0x133: {  	[sflag:s11] =	ssyncadd.s32 $0xFFFFC000  }
0x134: {  	v2 =	vld.msk [tilespmem:$0x1F0], $0xff;
	_ =	sdelay $0x4  }
0x135: {  	v3 =	vshll.u32 v2, $0x4  }
0x136: {  	v2 =	vand.u32 $0x7, v2;
	v3 =	vand.u32 $0xFFFFFF80, v3  }
0x137: {  	v2 =	vor.u32 v2, v3  }
0x138: {  	v2 =	vperm.xlane v2, v0;
	_ =	sdelay $0x1  }
0x139: {  	v2 =	vadd.s32 v1, v2;
	_ =	sdelay $0x3  }
0x13a: {  	s0 =	simm.s32 $0x8200  }
0x13b: {  	[tilespmem:s0], [sflag:$0x3] =	stream.indirect_vreg.gather [hbm4b:s1+s3], $0x80, v2, vm0, $0xb8;
	[tilespmem:$0x10200] =	vst v63  }
0x13c: {  	s2 =	simm.s32 $0x8A00  }
0x13d: {  	[tilespmem:s2], [sflag:$0x3] =	stream.indirect_vreg.gather [hbm4b:s5+s3], $0x80, v2, vm0, $0xb8;
	[tilespmem:$0x10200] =	vst v63  }
0x13e: {  	s25 =	simm.s32 $0x9200  }
0x13f: {  	[tilespmem:s25], [sflag:$0x3] =	stream.indirect_vreg.gather [hbm4b:s6+s3], $0x80, v2, vm0, $0xb8;
	[tilespmem:$0x10200] =	vst v63  }
0x140: {  	s26 =	simm.s32 $0x9A00  }
0x141: {  	[tilespmem:s26], [sflag:$0x3] =	stream.indirect_vreg.gather [hbm4b:s7+s3], $0x80, v2, vm0, $0xb8;
	[tilespmem:$0x10200] =	vst v63  }
0x142: {  	s4 =	simm.s32 $0xA200  }
0x143: {  	[tilespmem:s4], [sflag:$0x3] =	stream.indirect_vreg.gather [hbm4b:s8+s3], $0x80, v2, vm0, $0xb8;
	[tilespmem:$0x10200] =	vst v63  }
0x144: {  	s13 =	simm.s32 $0xAA00  }
0x145: {  	[tilespmem:s13], [sflag:$0x3] =	stream.indirect_vreg.gather [hbm4b:s9+s3], $0x80, v2, vm0, $0xb8;
	[tilespmem:$0x10200] =	vst v63  }
0x146: {  	s14 =	simm.s32 $0xB200  }
0x147: {  	[tilespmem:s14], [sflag:$0x3] =	stream.indirect_vreg.gather [hbm4b:s10+s3], $0x80, v2, vm0, $0xb8;
	[tilespmem:$0x10200] =	vst v63  }
0x148: {  	s21 =	simm.s32 $0xBA00  }
0x149: {  	[tilespmem:s21], [sflag:$0x3] =	stream.indirect_vreg.gather [hbm4b:s12+s3], $0x80, v2, vm0, $0xb8;
	[tilespmem:$0x10200] =	vst v63  }
0x14a: {  	_ =	swait.ge [sflag:s28], $0x4000  }
0x14b: {  	[sflag:s28] =	ssyncset.done $0x0  }
0x14c: {  	s22 =	rddreg [dreg:$0xb];
	[sflag:s28] =	ssyncadd.s32 $0xFFFFC000  }
0x14d: {  	[hbm4b:s22+s3] =	stream.linear.scatter [tilespmem:s18], [sflag:$0x6], $0x4000, $0x38;
	[tilespmem:$0x10200] =	vst v63  }
0x14e: {  	_ =	swait.ge [sflag:s23], $0x4000  }
0x14f: {  	[sflag:s23] =	ssyncset.done $0x0  }
0x150: {  	[sflag:s23] =	ssyncadd.s32 $0xFFFFC000  }
0x151: {  	v2 =	vld.msk [tilespmem:$0x1F8], $0xff;
	_ =	sdelay $0x4  }
0x152: {  	v3 =	vshll.u32 v2, $0x4  }
0x153: {  	v2 =	vand.u32 $0x7, v2;
	v3 =	vand.u32 $0xFFFFFF80, v3  }
0x154: {  	v2 =	vor.u32 v2, v3  }
0x155: {  	v2 =	vperm.xlane v2, v0;
	_ =	sdelay $0x1  }
0x156: {  	v2 =	vadd.s32 v1, v2;
	_ =	sdelay $0x3  }
0x157: {  	s2 =	simm.s32 $0xC200  }
0x158: {  	[tilespmem:s2], [sflag:$0x4] =	stream.indirect_vreg.gather [hbm4b:s1+s3], $0x80, v2, vm0, $0xb8;
	[tilespmem:$0x10200] =	vst v63  }
0x159: {  	s4 =	simm.s32 $0xCA00  }
0x15a: {  	[tilespmem:s4], [sflag:$0x4] =	stream.indirect_vreg.gather [hbm4b:s5+s3], $0x80, v2, vm0, $0xb8;
	[tilespmem:$0x10200] =	vst v63  }
0x15b: {  	s24 =	simm.s32 $0xD200  }
0x15c: {  	[tilespmem:s24], [sflag:$0x4] =	stream.indirect_vreg.gather [hbm4b:s6+s3], $0x80, v2, vm0, $0xb8;
	[tilespmem:$0x10200] =	vst v63  }
0x15d: {  	s25 =	simm.s32 $0xDA00  }
0x15e: {  	[tilespmem:s25], [sflag:$0x4] =	stream.indirect_vreg.gather [hbm4b:s7+s3], $0x80, v2, vm0, $0xb8;
	[tilespmem:$0x10200] =	vst v63  }
0x15f: {  	s26 =	simm.s32 $0xE200  }
0x160: {  	[tilespmem:s26], [sflag:$0x4] =	stream.indirect_vreg.gather [hbm4b:s8+s3], $0x80, v2, vm0, $0xb8;
	[tilespmem:$0x10200] =	vst v63  }
0x161: {  	s13 =	simm.s32 $0xEA00  }
0x162: {  	[tilespmem:s13], [sflag:$0x4] =	stream.indirect_vreg.gather [hbm4b:s9+s3], $0x80, v2, vm0, $0xb8;
	[tilespmem:$0x10200] =	vst v63  }
0x163: {  	s14 =	simm.s32 $0xF200  }
0x164: {  	[tilespmem:s14], [sflag:$0x4] =	stream.indirect_vreg.gather [hbm4b:s10+s3], $0x80, v2, vm0, $0xb8;
	[tilespmem:$0x10200] =	vst v63  }
0x165: {  	s18 =	simm.s32 $0xFA00  }
0x166: {  	[tilespmem:s18], [sflag:$0x4] =	stream.indirect_vreg.gather [hbm4b:s12+s3], $0x80, v2, vm0, $0xb8;
	[tilespmem:$0x10200] =	vst v63  }
0x167: {  	_ =	swait.ge [sflag:s15], $0x4000  }
0x168: {  	[sflag:s15] =	ssyncset.done $0x0  }
0x169: {  	s21 =	rddreg [dreg:$0xc];
	[sflag:s15] =	ssyncadd.s32 $0xFFFFC000  }
0x16a: {  	[hbm4b:s21+s3] =	stream.linear.scatter [tilespmem:s0], [sflag:$0x7], $0x4000, $0x38;
	[tilespmem:$0x10200] =	vst v63  }
0x16b: {  	_ =	swait.ge [sflag:s19], $0x4000  }
0x16c: {  	[sflag:s19] =	ssyncset.done $0x0  }
0x16d: {  	s22 =	rddreg [dreg:$0xd];
	[sflag:s19] =	ssyncadd.s32 $0xFFFFC000  }
0x16e: {  	[hbm4b:s22+s3] =	stream.linear.scatter [tilespmem:s2], [sflag:$0x8], $0x4000, $0x38;
	[tilespmem:$0x10200] =	vst v63  }
0x16f: {  	_ =	swait.ge [sflag:s16], $0x4000  }
0x170: {  	[sflag:s16] =	ssyncset.done $0x0  }
0x171: {  	[sflag:s16] =	ssyncadd.s32 $0xFFFFC000  }
0x172: {  	_ =	swait.ge [sflag:s20], $0x4000  }
0x173: {  	[sflag:s20] =	ssyncset.done $0x0  }
0x174: {  	[sflag:s20] =	ssyncadd.s32 $0xFFFFC000  }
0x175: {  	_ =	swait.ge [sflag:s11], $0x4000  }
0x176: {  	[sflag:s11] =	ssyncset.done $0x0  }
0x177: {  	[sflag:s11] =	ssyncadd.s32 $0xFFFFC000  }
0x178: {  	_ =	swait.ge [sflag:s23], $0x4000  }
0x179: {  	s25 =	rddreg [dreg:$0xf]  }
0x17a: {  	s26 =	rddreg [dreg:$0xe];
	s0 =	sadd.s32 $0x1, s25  }
0x17b: {  	p0 =	sne.s32 s0, s26  }
.Ltmp1:
0x17c: {  	_ = 	snop;
	(pc) =	sbr.rel @p0 .LBB2_1-.Ltmp1, $4  }
0x17d: {  	s31 =	simm.s32 $0x1A00  }
0x17e: {  	s4 =	simm.s32 $0x3200;
	s13 =	simm.s32 $0x3A00;
	s14 =	simm.s32 $0x4A00  }
0x17f: {  	s18 =	simm.s32 $0x5A00;
	s21 =	simm.s32 $0x2A00;
	[sflag:s23] =	ssyncset.done $0x0  }
0x180: {  	s2 =	simm.s32 $0x2200;
	[sflag:s23] =	ssyncadd.s32 $0xFFFFC000;
	s26 =	simm.s32 $0x1200  }
0x181: {  	_ =	sfence.sel $0x180000  }
0x182: {  	[bflag:$0x0] =	sbarrier.arrive $0xFFFF  }
0x183: {  	_ =	strace $0x90000047  }
0x184: {  	s0 =	stileid.u32;
	[bflag:$0x2] =	sbarrier.arrive $0xFFFF  }
0x185: {  	p0 =	sne.s32 s0, $0x0;
	s0 =	rddreg [dreg:$0x3]  }
0x186: {  	s0 =	sadd.s32 @!p0 $0x100000, s0  }
0x187: {  	[sflag:s0] =	ssyncadd.tile.s32 @!p0 $0x1;
	_ =	shalt  }
.Lfunc_end2:
_tile_overlayer_lowered:
.L_overlay_start_2:
0x188: {  	(tag) =	ssettag $0x2  }
0x189: {  	s0 =	rddreg [dreg:$0x0];
	s2 =	stileid.u32  }
0x18a: {  	s1 =	rddreg [dreg:$0x1];
	p0 =	sne.s32 s2, $0x0  }
0x18b: {  	s3 =	rddreg [dreg:$0x2];
	[bflag:$0x3] =	sbarrier.arrive $0xFFFF;
	s2 =	simm.s32 @!p0 $0x1C09  }
0x18c: {  	[timem:s3], [sflag:s2] =	dma.local @!p0 [hbm:s0], s1  }
0x18d: {  	s0 =	simm.s32 @!p0 $0x9  }
0x18e: {  	_ =	swait.ge @!p0 [sflag:s0], s1  }
0x18f: {  	s1 =	ssub.s32 @!p0 $0x0, s1;
	[sflag:s0] =	ssyncset.done @!p0 $0x0  }
0x190: {  	[sflag:s0] =	ssyncadd.s32 @!p0 s1  }
0x191: {  	[bflag:$0x3] =	sbarrier.arrive $0xFFFF  }
0x192: {  	_ =	shalt  }

</sc_bundles>
